<compile_context>
chip_gen: v7x
topology: tpu7x:2x2x1
jax: 0.10.2.dev20260603
libtpu: 0.0.44.dev20260713+nightly
codegen_flags: <defaults>
</compile_context>

<pallas_src>
import jax
import jax.numpy as jnp
from jax import lax
from jax.experimental import pallas as pl
from jax.experimental.pallas import tpu as pltpu
from jax.experimental.pallas import tpu_sc as plsc

B, L, D, C = 1024, 200, 50000, 2

_info = plsc.get_sparse_core_info()
NC, NS, LANES = _info.num_cores, _info.num_subcores, _info.num_lanes
NW = NC * NS
ROWS_PER_W = B // NW
GROUPS = ROWS_PER_W // LANES
TOK_PER_W = ROWS_PER_W * L
DP = D + 8
GCHUNK = 128
NCHUNK = TOK_PER_W // GCHUNK


def _sc_kernel_body(iv_hbm, wp_hbm, out_hbm,
                    w_sh, idx_v, val_v, wtok_v, out_v, b0_v, b1_v,
                    w_sem, g_sem):
    sid = lax.axis_index("s")
    wid = sid * NC + lax.axis_index("c")
    base = wid * ROWS_PER_W

    @pl.when(sid == 0)
    def _():
        pltpu.async_copy(wp_hbm, w_sh, w_sem).wait()

    pltpu.sync_copy(iv_hbm.at[pl.ds(base * L, TOK_PER_W)], idx_v)
    pltpu.sync_copy(iv_hbm.at[pl.ds(B * L + base * L, TOK_PER_W)], val_v)
    plsc.subcore_barrier()

    cps = []
    for k in range(NCHUNK):
        cps.append(pltpu.async_copy(
            w_sh.at[idx_v.at[pl.ds(k * GCHUNK, GCHUNK)]],
            wtok_v.at[pl.ds(k * GCHUNK, GCHUNK)], g_sem))
    cps.append(pltpu.async_copy(
        w_sh.at[jnp.full((LANES,), D, jnp.int32)], b0_v, g_sem))
    cps.append(pltpu.async_copy(
        w_sh.at[jnp.full((LANES,), D + 1, jnp.int32)], b1_v, g_sem))
    for cp in cps:
        cp.wait()

    iota = lax.iota(jnp.int32, LANES)
    hi_mask = jnp.full((LANES,), -65536, jnp.int32)
    b0 = lax.bitcast_convert_type(b0_v[...], jnp.float32)
    b1 = lax.bitcast_convert_type(b1_v[...], jnp.float32)
    row_base = [(iota + g * LANES) * L for g in range(GROUPS)]
    out_pos = [iota + g * LANES for g in range(GROUPS)]

    UNROLL = 2
    zero = jnp.zeros((LANES,), jnp.float32)

    def body(j, carry):
        out = []
        k = 0
        for g in range(GROUPS):
            for u in range(UNROLL):
                a0, a1 = carry[k], carry[k + 1]
                pos = row_base[g] + (j + u)
                vv = lax.bitcast_convert_type(
                    plsc.load_gather(val_v, [pos]), jnp.float32)
                wp = plsc.load_gather(wtok_v, [pos])
                w0 = lax.bitcast_convert_type(lax.shift_left(wp, 16),
                                              jnp.float32)
                w1 = lax.bitcast_convert_type(jnp.bitwise_and(wp, hi_mask),
                                              jnp.float32)
                out.extend([a0 + vv * w0, a1 + vv * w1])
                k += 2
        return tuple(out)

    init = []
    for g in range(GROUPS):
        init.extend([b0, b1] + [zero, zero] * (UNROLL - 1))
    accs = lax.fori_loop(0, L // UNROLL, lambda i, c: body(i * UNROLL, c),
                         tuple(init))
    for g in range(GROUPS):
        k = 2 * UNROLL * g
        a0 = accs[k]
        a1 = accs[k + 1]
        for u in range(1, UNROLL):
            a0 = a0 + accs[k + 2 * u]
            a1 = a1 + accs[k + 2 * u + 1]
        plsc.store_scatter(out_v, [out_pos[g]], a0)
        plsc.store_scatter(out_v, [out_pos[g] + ROWS_PER_W], a1)

    pltpu.sync_copy(out_v.at[pl.ds(0, ROWS_PER_W)],
                    out_hbm.at[pl.ds(base, ROWS_PER_W)])
    pltpu.sync_copy(out_v.at[pl.ds(ROWS_PER_W, ROWS_PER_W)],
                    out_hbm.at[pl.ds(B + base, ROWS_PER_W)])


@jax.jit
def kernel(idxs, vals, W, b):
    ivpack = jnp.concatenate(
        [idxs.reshape(B * L),
         jax.lax.bitcast_convert_type(vals.reshape(B * L), jnp.int32)])
    wb = jax.lax.bitcast_convert_type(W.astype(jnp.bfloat16), jnp.uint16)
    wp = (wb[:, 0].astype(jnp.uint32)
          | (wb[:, 1].astype(jnp.uint32) << 16))
    wp = jax.lax.bitcast_convert_type(wp, jnp.int32)
    btail = jnp.pad(jax.lax.bitcast_convert_type(b, jnp.int32), (0, 6))
    wpb = jnp.concatenate([wp, btail])
    mesh = plsc.VectorSubcoreMesh(core_axis_name="c", subcore_axis_name="s")
    run = pl.kernel(
        _sc_kernel_body,
        out_type=jax.ShapeDtypeStruct((C * B,), jnp.float32),
        mesh=mesh,
        scratch_types=[
            pltpu.VMEM_SHARED((DP,), jnp.int32),
            pltpu.VMEM((TOK_PER_W,), jnp.int32),
            pltpu.VMEM((TOK_PER_W,), jnp.int32),
            pltpu.VMEM((TOK_PER_W,), jnp.int32),
            pltpu.VMEM((ROWS_PER_W * C,), jnp.float32),
            pltpu.VMEM((LANES,), jnp.int32),
            pltpu.VMEM((LANES,), jnp.int32),
            pltpu.SemaphoreType.DMA,
            pltpu.SemaphoreType.DMA,
        ],
        compiler_params=pltpu.CompilerParams(
            use_tc_tiling_on_sc=False, needs_layout_passes=False
        ),
    )
    return run(ivpack, wpb).reshape(C, B).T

# --- scband reference (transcript-rebuilt; emitter-appended) ---
"""Pipeline reference for scband-model-48352741819102 (READ-ONLY COPY).

The authoritative reference and input builder live on the scoring server;
editing this copy changes nothing except your own understanding.
"""

import jax, jax.numpy as jnp
import numpy as np

B, L, D, C = 1024, 200, 50000, 2

def setup_inputs(seed: int = 0) -> dict:
    key = jax.random.key(seed)
    k1, k2, k3 = jax.random.split(key, 3)
    idxs = jax.random.randint(k1, (B, L), 0, D)
    vals = jax.random.uniform(k2, (B, L), dtype=jnp.float32)
    # mimic per-text l2 normalization of tf-idf values
    vals = vals / jnp.maximum(jnp.linalg.norm(vals, axis=1, keepdims=True), 1e-12)
    W = jax.random.normal(k3, (D, C), dtype=jnp.float32) * 0.02
    b = jnp.zeros((C,), dtype=jnp.float32)
    return {"idxs": idxs, "vals": vals, "W": W, "b": b}

def reference(idxs, vals, W, b):
    # sparse tf-idf features -> dense via scatter-add (torch index_add_ equivalent),
    # then linear classifier head (Model.forward_dense)
    Bn, Ln = idxs.shape
    Dn = W.shape[0]
    rows = jnp.arange(Bn)[:, None]
    X = jnp.zeros((Bn, Dn), dtype=jnp.float32).at[rows, idxs].add(vals)
    logits = X @ W + b
    return logits

if __name__ == "__main__":
    import jax
    _d = setup_inputs()
    print(jax.jit(kernel)(*tuple(_d.values())))

</pallas_src>

<mosaic_0001>
#map = affine_map<(d0, d1) -> (0)>
module attributes {stable_mosaic.version = 14 : i64} {
  func.func @_sc_kernel_body(%arg0: i32, %arg1: i32, %arg2: memref<409600xi32, #tpu.memory_space<hbm>>, %arg3: memref<50008xi32, #tpu.memory_space<hbm>>, %arg4: memref<2048xf32, #tpu.memory_space<hbm>>, %arg5: memref<50008xi32, #tpu.memory_space<vmem_shared>>, %arg6: memref<6400xi32, #tpu.memory_space<vmem>>, %arg7: memref<6400xi32, #tpu.memory_space<vmem>>, %arg8: memref<6400xi32, #tpu.memory_space<vmem>>, %arg9: memref<64xf32, #tpu.memory_space<vmem>>, %arg10: memref<16xi32, #tpu.memory_space<vmem>>, %arg11: memref<16xi32, #tpu.memory_space<vmem>>, %arg12: memref<!tpu.dma_semaphore, #tpu.memory_space<semaphore_mem>>, %arg13: memref<!tpu.dma_semaphore, #tpu.memory_space<semaphore_mem>>) attributes {dimension_semantics = [#tpu.dimension_semantics<core_parallel>, #tpu.dimension_semantics<subcore_parallel>], iteration_bounds = array<i64: 2, 16>, scalar_prefetch = 0 : i64, scratch_operands = 9 : i64, tpu.core_type = #tpu.core_type<sc_vector_subcore>, window_params = [{transform_indices = #map}, {transform_indices = #map}, {transform_indices = #map}]} {
    %mul3A = arith.constant 2 : i32
    %mul3A_0 = arith.muli %arg1, %mul3A : i32
    %add3A = arith.addi %mul3A_0, %arg0 : i32
    %mul3A_1 = arith.constant 32 : i32
    %mul3A_2 = arith.muli %add3A, %mul3A_1 : i32
    %eq3A = arith.constant 0 : i32
    %eq3A_3 = arith.cmpi eq, %arg1, %eq3A : i32
    %convert_element_type3A = arith.extui %eq3A_3 : i1 to i32
    %cond3A = arith.constant 0 : i32
    %cond3A_4 = arith.cmpi ne, %convert_element_type3A, %cond3A : i32
    scf.if %cond3A_4 {
      tpu.enqueue_dma source(%arg3 : memref<50008xi32, #tpu.memory_space<hbm>>) target(%arg5 : memref<50008xi32, #tpu.memory_space<vmem_shared>>) target_semaphore(%arg12 : memref<!tpu.dma_semaphore, #tpu.memory_space<semaphore_mem>>)
      tpu.wait_dma2 semaphore(%arg12 : memref<!tpu.dma_semaphore, #tpu.memory_space<semaphore_mem>>) src(%arg3 : memref<50008xi32, #tpu.memory_space<hbm>>) dst(%arg5 : memref<50008xi32, #tpu.memory_space<vmem_shared>>)
    } else {
    }
    %mul3A_5 = arith.constant 200 : i32
    %mul3A_6 = arith.muli %mul3A_2, %mul3A_5 : i32
    "tpu.region"() ({
      %run_scoped3A = tpu.sem_alloc : memref<!tpu.dma_semaphore, #tpu.memory_space<semaphore_mem>>
      %dma_start3A_663 = tpu.memref_slice %arg2[%mul3A_6] : memref<409600xi32, #tpu.memory_space<hbm>> -> memref<6400xi32, #tpu.memory_space<hbm>>
      %dma_start3A_664 = tpu.memref_slice %arg2[%mul3A_6] : memref<409600xi32, #tpu.memory_space<hbm>> -> memref<6400xi32, #tpu.memory_space<hbm>>
      tpu.enqueue_dma source(%dma_start3A_664 : memref<6400xi32, #tpu.memory_space<hbm>>) target(%arg6 : memref<6400xi32, #tpu.memory_space<vmem>>) target_semaphore(%run_scoped3A : memref<!tpu.dma_semaphore, #tpu.memory_space<semaphore_mem>>)
      %dma_wait3A_665 = tpu.memref_slice %arg2[%mul3A_6] : memref<409600xi32, #tpu.memory_space<hbm>> -> memref<6400xi32, #tpu.memory_space<hbm>>
      %dma_wait3A_666 = tpu.memref_slice %arg2[%mul3A_6] : memref<409600xi32, #tpu.memory_space<hbm>> -> memref<6400xi32, #tpu.memory_space<hbm>>
      tpu.wait_dma2 semaphore(%run_scoped3A : memref<!tpu.dma_semaphore, #tpu.memory_space<semaphore_mem>>) src(%dma_wait3A_666 : memref<6400xi32, #tpu.memory_space<hbm>>) dst(%arg6 : memref<6400xi32, #tpu.memory_space<vmem>>)
      tpu.yield
    }) : () -> ()
    %mul3A_7 = arith.constant 200 : i32
    %mul3A_8 = arith.muli %mul3A_2, %mul3A_7 : i32
    %add3A_9 = arith.constant 204800 : i32
    %add3A_10 = arith.addi %add3A_9, %mul3A_8 : i32
    "tpu.region"() ({
      %run_scoped3A = tpu.sem_alloc : memref<!tpu.dma_semaphore, #tpu.memory_space<semaphore_mem>>
      %dma_start3A_663 = tpu.memref_slice %arg2[%add3A_10] : memref<409600xi32, #tpu.memory_space<hbm>> -> memref<6400xi32, #tpu.memory_space<hbm>>
      %dma_start3A_664 = tpu.memref_slice %arg2[%add3A_10] : memref<409600xi32, #tpu.memory_space<hbm>> -> memref<6400xi32, #tpu.memory_space<hbm>>
      tpu.enqueue_dma source(%dma_start3A_664 : memref<6400xi32, #tpu.memory_space<hbm>>) target(%arg7 : memref<6400xi32, #tpu.memory_space<vmem>>) target_semaphore(%run_scoped3A : memref<!tpu.dma_semaphore, #tpu.memory_space<semaphore_mem>>)
      %dma_wait3A_665 = tpu.memref_slice %arg2[%add3A_10] : memref<409600xi32, #tpu.memory_space<hbm>> -> memref<6400xi32, #tpu.memory_space<hbm>>
      %dma_wait3A_666 = tpu.memref_slice %arg2[%add3A_10] : memref<409600xi32, #tpu.memory_space<hbm>> -> memref<6400xi32, #tpu.memory_space<hbm>>
      tpu.wait_dma2 semaphore(%run_scoped3A : memref<!tpu.dma_semaphore, #tpu.memory_space<semaphore_mem>>) src(%dma_wait3A_666 : memref<6400xi32, #tpu.memory_space<hbm>>) dst(%arg7 : memref<6400xi32, #tpu.memory_space<vmem>>)
      tpu.yield
    }) : () -> ()
    %barrier3A = arith.constant 0 : index
    tpu.barrier barrier_id(%barrier3A)
    %dma_start3A = arith.constant 0 : i32
    %dma_start3A_11 = tpu.memref_slice %arg8[%dma_start3A] : memref<6400xi32, #tpu.memory_space<vmem>> -> memref<128xi32, #tpu.memory_space<vmem>>
    %dma_start3A_12 = arith.constant 0 : i32
    %dma_start3A_13 = tpu.memref_slice %arg6[%dma_start3A_12] : memref<6400xi32, #tpu.memory_space<vmem>> -> memref<128xi32, #tpu.memory_space<vmem>>
    %dma_start3A_14 = arith.constant 0 : i32
    %dma_start3A_15 = tpu.memref_slice %arg5[%dma_start3A_14] : memref<50008xi32, #tpu.memory_space<vmem_shared>> -> memref<50008xi32, #tpu.memory_space<vmem_shared>>
    tpu.enqueue_indirect_dma source(%dma_start3A_15 : memref<50008xi32, #tpu.memory_space<vmem_shared>>) target(%dma_start3A_11 : memref<128xi32, #tpu.memory_space<vmem>>) offsets(%dma_start3A_13 : memref<128xi32, #tpu.memory_space<vmem>>) semaphore(%arg13 : memref<!tpu.dma_semaphore, #tpu.memory_space<semaphore_mem>>)
    %dma_start3A_16 = arith.constant 128 : i32
    %dma_start3A_17 = tpu.memref_slice %arg8[%dma_start3A_16] : memref<6400xi32, #tpu.memory_space<vmem>> -> memref<128xi32, #tpu.memory_space<vmem>>
    %dma_start3A_18 = arith.constant 128 : i32
    %dma_start3A_19 = tpu.memref_slice %arg6[%dma_start3A_18] : memref<6400xi32, #tpu.memory_space<vmem>> -> memref<128xi32, #tpu.memory_space<vmem>>
    %dma_start3A_20 = arith.constant 0 : i32
    %dma_start3A_21 = tpu.memref_slice %arg5[%dma_start3A_20] : memref<50008xi32, #tpu.memory_space<vmem_shared>> -> memref<50008xi32, #tpu.memory_space<vmem_shared>>
    tpu.enqueue_indirect_dma source(%dma_start3A_21 : memref<50008xi32, #tpu.memory_space<vmem_shared>>) target(%dma_start3A_17 : memref<128xi32, #tpu.memory_space<vmem>>) offsets(%dma_start3A_19 : memref<128xi32, #tpu.memory_space<vmem>>) semaphore(%arg13 : memref<!tpu.dma_semaphore, #tpu.memory_space<semaphore_mem>>)
    %dma_start3A_22 = arith.constant 256 : i32
    %dma_start3A_23 = tpu.memref_slice %arg8[%dma_start3A_22] : memref<6400xi32, #tpu.memory_space<vmem>> -> memref<128xi32, #tpu.memory_space<vmem>>
    %dma_start3A_24 = arith.constant 256 : i32
    %dma_start3A_25 = tpu.memref_slice %arg6[%dma_start3A_24] : memref<6400xi32, #tpu.memory_space<vmem>> -> memref<128xi32, #tpu.memory_space<vmem>>
    %dma_start3A_26 = arith.constant 0 : i32
    %dma_start3A_27 = tpu.memref_slice %arg5[%dma_start3A_26] : memref<50008xi32, #tpu.memory_space<vmem_shared>> -> memref<50008xi32, #tpu.memory_space<vmem_shared>>
    tpu.enqueue_indirect_dma source(%dma_start3A_27 : memref<50008xi32, #tpu.memory_space<vmem_shared>>) target(%dma_start3A_23 : memref<128xi32, #tpu.memory_space<vmem>>) offsets(%dma_start3A_25 : memref<128xi32, #tpu.memory_space<vmem>>) semaphore(%arg13 : memref<!tpu.dma_semaphore, #tpu.memory_space<semaphore_mem>>)
    %dma_start3A_28 = arith.constant 384 : i32
    %dma_start3A_29 = tpu.memref_slice %arg8[%dma_start3A_28] : memref<6400xi32, #tpu.memory_space<vmem>> -> memref<128xi32, #tpu.memory_space<vmem>>
    %dma_start3A_30 = arith.constant 384 : i32
    %dma_start3A_31 = tpu.memref_slice %arg6[%dma_start3A_30] : memref<6400xi32, #tpu.memory_space<vmem>> -> memref<128xi32, #tpu.memory_space<vmem>>
    %dma_start3A_32 = arith.constant 0 : i32
    %dma_start3A_33 = tpu.memref_slice %arg5[%dma_start3A_32] : memref<50008xi32, #tpu.memory_space<vmem_shared>> -> memref<50008xi32, #tpu.memory_space<vmem_shared>>
    tpu.enqueue_indirect_dma source(%dma_start3A_33 : memref<50008xi32, #tpu.memory_space<vmem_shared>>) target(%dma_start3A_29 : memref<128xi32, #tpu.memory_space<vmem>>) offsets(%dma_start3A_31 : memref<128xi32, #tpu.memory_space<vmem>>) semaphore(%arg13 : memref<!tpu.dma_semaphore, #tpu.memory_space<semaphore_mem>>)
    %dma_start3A_34 = arith.constant 512 : i32
    %dma_start3A_35 = tpu.memref_slice %arg8[%dma_start3A_34] : memref<6400xi32, #tpu.memory_space<vmem>> -> memref<128xi32, #tpu.memory_space<vmem>>
    %dma_start3A_36 = arith.constant 512 : i32
    %dma_start3A_37 = tpu.memref_slice %arg6[%dma_start3A_36] : memref<6400xi32, #tpu.memory_space<vmem>> -> memref<128xi32, #tpu.memory_space<vmem>>
    %dma_start3A_38 = arith.constant 0 : i32
    %dma_start3A_39 = tpu.memref_slice %arg5[%dma_start3A_38] : memref<50008xi32, #tpu.memory_space<vmem_shared>> -> memref<50008xi32, #tpu.memory_space<vmem_shared>>
    tpu.enqueue_indirect_dma source(%dma_start3A_39 : memref<50008xi32, #tpu.memory_space<vmem_shared>>) target(%dma_start3A_35 : memref<128xi32, #tpu.memory_space<vmem>>) offsets(%dma_start3A_37 : memref<128xi32, #tpu.memory_space<vmem>>) semaphore(%arg13 : memref<!tpu.dma_semaphore, #tpu.memory_space<semaphore_mem>>)
    %dma_start3A_40 = arith.constant 640 : i32
    %dma_start3A_41 = tpu.memref_slice %arg8[%dma_start3A_40] : memref<6400xi32, #tpu.memory_space<vmem>> -> memref<128xi32, #tpu.memory_space<vmem>>
    %dma_start3A_42 = arith.constant 640 : i32
    %dma_start3A_43 = tpu.memref_slice %arg6[%dma_start3A_42] : memref<6400xi32, #tpu.memory_space<vmem>> -> memref<128xi32, #tpu.memory_space<vmem>>
    %dma_start3A_44 = arith.constant 0 : i32
    %dma_start3A_45 = tpu.memref_slice %arg5[%dma_start3A_44] : memref<50008xi32, #tpu.memory_space<vmem_shared>> -> memref<50008xi32, #tpu.memory_space<vmem_shared>>
    tpu.enqueue_indirect_dma source(%dma_start3A_45 : memref<50008xi32, #tpu.memory_space<vmem_shared>>) target(%dma_start3A_41 : memref<128xi32, #tpu.memory_space<vmem>>) offsets(%dma_start3A_43 : memref<128xi32, #tpu.memory_space<vmem>>) semaphore(%arg13 : memref<!tpu.dma_semaphore, #tpu.memory_space<semaphore_mem>>)
    %dma_start3A_46 = arith.constant 768 : i32
    %dma_start3A_47 = tpu.memref_slice %arg8[%dma_start3A_46] : memref<6400xi32, #tpu.memory_space<vmem>> -> memref<128xi32, #tpu.memory_space<vmem>>
    %dma_start3A_48 = arith.constant 768 : i32
    %dma_start3A_49 = tpu.memref_slice %arg6[%dma_start3A_48] : memref<6400xi32, #tpu.memory_space<vmem>> -> memref<128xi32, #tpu.memory_space<vmem>>
    %dma_start3A_50 = arith.constant 0 : i32
    %dma_start3A_51 = tpu.memref_slice %arg5[%dma_start3A_50] : memref<50008xi32, #tpu.memory_space<vmem_shared>> -> memref<50008xi32, #tpu.memory_space<vmem_shared>>
    tpu.enqueue_indirect_dma source(%dma_start3A_51 : memref<50008xi32, #tpu.memory_space<vmem_shared>>) target(%dma_start3A_47 : memref<128xi32, #tpu.memory_space<vmem>>) offsets(%dma_start3A_49 : memref<128xi32, #tpu.memory_space<vmem>>) semaphore(%arg13 : memref<!tpu.dma_semaphore, #tpu.memory_space<semaphore_mem>>)
    %dma_start3A_52 = arith.constant 896 : i32
    %dma_start3A_53 = tpu.memref_slice %arg8[%dma_start3A_52] : memref<6400xi32, #tpu.memory_space<vmem>> -> memref<128xi32, #tpu.memory_space<vmem>>
    %dma_start3A_54 = arith.constant 896 : i32
    %dma_start3A_55 = tpu.memref_slice %arg6[%dma_start3A_54] : memref<6400xi32, #tpu.memory_space<vmem>> -> memref<128xi32, #tpu.memory_space<vmem>>
    %dma_start3A_56 = arith.constant 0 : i32
    %dma_start3A_57 = tpu.memref_slice %arg5[%dma_start3A_56] : memref<50008xi32, #tpu.memory_space<vmem_shared>> -> memref<50008xi32, #tpu.memory_space<vmem_shared>>
    tpu.enqueue_indirect_dma source(%dma_start3A_57 : memref<50008xi32, #tpu.memory_space<vmem_shared>>) target(%dma_start3A_53 : memref<128xi32, #tpu.memory_space<vmem>>) offsets(%dma_start3A_55 : memref<128xi32, #tpu.memory_space<vmem>>) semaphore(%arg13 : memref<!tpu.dma_semaphore, #tpu.memory_space<semaphore_mem>>)
    %dma_start3A_58 = arith.constant 1024 : i32
    %dma_start3A_59 = tpu.memref_slice %arg8[%dma_start3A_58] : memref<6400xi32, #tpu.memory_space<vmem>> -> memref<128xi32, #tpu.memory_space<vmem>>
    %dma_start3A_60 = arith.constant 1024 : i32
    %dma_start3A_61 = tpu.memref_slice %arg6[%dma_start3A_60] : memref<6400xi32, #tpu.memory_space<vmem>> -> memref<128xi32, #tpu.memory_space<vmem>>
    %dma_start3A_62 = arith.constant 0 : i32
    %dma_start3A_63 = tpu.memref_slice %arg5[%dma_start3A_62] : memref<50008xi32, #tpu.memory_space<vmem_shared>> -> memref<50008xi32, #tpu.memory_space<vmem_shared>>
    tpu.enqueue_indirect_dma source(%dma_start3A_63 : memref<50008xi32, #tpu.memory_space<vmem_shared>>) target(%dma_start3A_59 : memref<128xi32, #tpu.memory_space<vmem>>) offsets(%dma_start3A_61 : memref<128xi32, #tpu.memory_space<vmem>>) semaphore(%arg13 : memref<!tpu.dma_semaphore, #tpu.memory_space<semaphore_mem>>)
    %dma_start3A_64 = arith.constant 1152 : i32
    %dma_start3A_65 = tpu.memref_slice %arg8[%dma_start3A_64] : memref<6400xi32, #tpu.memory_space<vmem>> -> memref<128xi32, #tpu.memory_space<vmem>>
    %dma_start3A_66 = arith.constant 1152 : i32
    %dma_start3A_67 = tpu.memref_slice %arg6[%dma_start3A_66] : memref<6400xi32, #tpu.memory_space<vmem>> -> memref<128xi32, #tpu.memory_space<vmem>>
    %dma_start3A_68 = arith.constant 0 : i32
    %dma_start3A_69 = tpu.memref_slice %arg5[%dma_start3A_68] : memref<50008xi32, #tpu.memory_space<vmem_shared>> -> memref<50008xi32, #tpu.memory_space<vmem_shared>>
    tpu.enqueue_indirect_dma source(%dma_start3A_69 : memref<50008xi32, #tpu.memory_space<vmem_shared>>) target(%dma_start3A_65 : memref<128xi32, #tpu.memory_space<vmem>>) offsets(%dma_start3A_67 : memref<128xi32, #tpu.memory_space<vmem>>) semaphore(%arg13 : memref<!tpu.dma_semaphore, #tpu.memory_space<semaphore_mem>>)
    %dma_start3A_70 = arith.constant 1280 : i32
    %dma_start3A_71 = tpu.memref_slice %arg8[%dma_start3A_70] : memref<6400xi32, #tpu.memory_space<vmem>> -> memref<128xi32, #tpu.memory_space<vmem>>
    %dma_start3A_72 = arith.constant 1280 : i32
    %dma_start3A_73 = tpu.memref_slice %arg6[%dma_start3A_72] : memref<6400xi32, #tpu.memory_space<vmem>> -> memref<128xi32, #tpu.memory_space<vmem>>
    %dma_start3A_74 = arith.constant 0 : i32
    %dma_start3A_75 = tpu.memref_slice %arg5[%dma_start3A_74] : memref<50008xi32, #tpu.memory_space<vmem_shared>> -> memref<50008xi32, #tpu.memory_space<vmem_shared>>
    tpu.enqueue_indirect_dma source(%dma_start3A_75 : memref<50008xi32, #tpu.memory_space<vmem_shared>>) target(%dma_start3A_71 : memref<128xi32, #tpu.memory_space<vmem>>) offsets(%dma_start3A_73 : memref<128xi32, #tpu.memory_space<vmem>>) semaphore(%arg13 : memref<!tpu.dma_semaphore, #tpu.memory_space<semaphore_mem>>)
    %dma_start3A_76 = arith.constant 1408 : i32
    %dma_start3A_77 = tpu.memref_slice %arg8[%dma_start3A_76] : memref<6400xi32, #tpu.memory_space<vmem>> -> memref<128xi32, #tpu.memory_space<vmem>>
    %dma_start3A_78 = arith.constant 1408 : i32
    %dma_start3A_79 = tpu.memref_slice %arg6[%dma_start3A_78] : memref<6400xi32, #tpu.memory_space<vmem>> -> memref<128xi32, #tpu.memory_space<vmem>>
    %dma_start3A_80 = arith.constant 0 : i32
    %dma_start3A_81 = tpu.memref_slice %arg5[%dma_start3A_80] : memref<50008xi32, #tpu.memory_space<vmem_shared>> -> memref<50008xi32, #tpu.memory_space<vmem_shared>>
    tpu.enqueue_indirect_dma source(%dma_start3A_81 : memref<50008xi32, #tpu.memory_space<vmem_shared>>) target(%dma_start3A_77 : memref<128xi32, #tpu.memory_space<vmem>>) offsets(%dma_start3A_79 : memref<128xi32, #tpu.memory_space<vmem>>) semaphore(%arg13 : memref<!tpu.dma_semaphore, #tpu.memory_space<semaphore_mem>>)
    %dma_start3A_82 = arith.constant 1536 : i32
    %dma_start3A_83 = tpu.memref_slice %arg8[%dma_start3A_82] : memref<6400xi32, #tpu.memory_space<vmem>> -> memref<128xi32, #tpu.memory_space<vmem>>
    %dma_start3A_84 = arith.constant 1536 : i32
    %dma_start3A_85 = tpu.memref_slice %arg6[%dma_start3A_84] : memref<6400xi32, #tpu.memory_space<vmem>> -> memref<128xi32, #tpu.memory_space<vmem>>
    %dma_start3A_86 = arith.constant 0 : i32
    %dma_start3A_87 = tpu.memref_slice %arg5[%dma_start3A_86] : memref<50008xi32, #tpu.memory_space<vmem_shared>> -> memref<50008xi32, #tpu.memory_space<vmem_shared>>
    tpu.enqueue_indirect_dma source(%dma_start3A_87 : memref<50008xi32, #tpu.memory_space<vmem_shared>>) target(%dma_start3A_83 : memref<128xi32, #tpu.memory_space<vmem>>) offsets(%dma_start3A_85 : memref<128xi32, #tpu.memory_space<vmem>>) semaphore(%arg13 : memref<!tpu.dma_semaphore, #tpu.memory_space<semaphore_mem>>)
    %dma_start3A_88 = arith.constant 1664 : i32
    %dma_start3A_89 = tpu.memref_slice %arg8[%dma_start3A_88] : memref<6400xi32, #tpu.memory_space<vmem>> -> memref<128xi32, #tpu.memory_space<vmem>>
    %dma_start3A_90 = arith.constant 1664 : i32
    %dma_start3A_91 = tpu.memref_slice %arg6[%dma_start3A_90] : memref<6400xi32, #tpu.memory_space<vmem>> -> memref<128xi32, #tpu.memory_space<vmem>>
    %dma_start3A_92 = arith.constant 0 : i32
    %dma_start3A_93 = tpu.memref_slice %arg5[%dma_start3A_92] : memref<50008xi32, #tpu.memory_space<vmem_shared>> -> memref<50008xi32, #tpu.memory_space<vmem_shared>>
    tpu.enqueue_indirect_dma source(%dma_start3A_93 : memref<50008xi32, #tpu.memory_space<vmem_shared>>) target(%dma_start3A_89 : memref<128xi32, #tpu.memory_space<vmem>>) offsets(%dma_start3A_91 : memref<128xi32, #tpu.memory_space<vmem>>) semaphore(%arg13 : memref<!tpu.dma_semaphore, #tpu.memory_space<semaphore_mem>>)
    %dma_start3A_94 = arith.constant 1792 : i32
    %dma_start3A_95 = tpu.memref_slice %arg8[%dma_start3A_94] : memref<6400xi32, #tpu.memory_space<vmem>> -> memref<128xi32, #tpu.memory_space<vmem>>
    %dma_start3A_96 = arith.constant 1792 : i32
    %dma_start3A_97 = tpu.memref_slice %arg6[%dma_start3A_96] : memref<6400xi32, #tpu.memory_space<vmem>> -> memref<128xi32, #tpu.memory_space<vmem>>
    %dma_start3A_98 = arith.constant 0 : i32
    %dma_start3A_99 = tpu.memref_slice %arg5[%dma_start3A_98] : memref<50008xi32, #tpu.memory_space<vmem_shared>> -> memref<50008xi32, #tpu.memory_space<vmem_shared>>
    tpu.enqueue_indirect_dma source(%dma_start3A_99 : memref<50008xi32, #tpu.memory_space<vmem_shared>>) target(%dma_start3A_95 : memref<128xi32, #tpu.memory_space<vmem>>) offsets(%dma_start3A_97 : memref<128xi32, #tpu.memory_space<vmem>>) semaphore(%arg13 : memref<!tpu.dma_semaphore, #tpu.memory_space<semaphore_mem>>)
    %dma_start3A_100 = arith.constant 1920 : i32
    %dma_start3A_101 = tpu.memref_slice %arg8[%dma_start3A_100] : memref<6400xi32, #tpu.memory_space<vmem>> -> memref<128xi32, #tpu.memory_space<vmem>>
    %dma_start3A_102 = arith.constant 1920 : i32
    %dma_start3A_103 = tpu.memref_slice %arg6[%dma_start3A_102] : memref<6400xi32, #tpu.memory_space<vmem>> -> memref<128xi32, #tpu.memory_space<vmem>>
    %dma_start3A_104 = arith.constant 0 : i32
    %dma_start3A_105 = tpu.memref_slice %arg5[%dma_start3A_104] : memref<50008xi32, #tpu.memory_space<vmem_shared>> -> memref<50008xi32, #tpu.memory_space<vmem_shared>>
    tpu.enqueue_indirect_dma source(%dma_start3A_105 : memref<50008xi32, #tpu.memory_space<vmem_shared>>) target(%dma_start3A_101 : memref<128xi32, #tpu.memory_space<vmem>>) offsets(%dma_start3A_103 : memref<128xi32, #tpu.memory_space<vmem>>) semaphore(%arg13 : memref<!tpu.dma_semaphore, #tpu.memory_space<semaphore_mem>>)
    %dma_start3A_106 = arith.constant 2048 : i32
    %dma_start3A_107 = tpu.memref_slice %arg8[%dma_start3A_106] : memref<6400xi32, #tpu.memory_space<vmem>> -> memref<128xi32, #tpu.memory_space<vmem>>
    %dma_start3A_108 = arith.constant 2048 : i32
    %dma_start3A_109 = tpu.memref_slice %arg6[%dma_start3A_108] : memref<6400xi32, #tpu.memory_space<vmem>> -> memref<128xi32, #tpu.memory_space<vmem>>
    %dma_start3A_110 = arith.constant 0 : i32
    %dma_start3A_111 = tpu.memref_slice %arg5[%dma_start3A_110] : memref<50008xi32, #tpu.memory_space<vmem_shared>> -> memref<50008xi32, #tpu.memory_space<vmem_shared>>
    tpu.enqueue_indirect_dma source(%dma_start3A_111 : memref<50008xi32, #tpu.memory_space<vmem_shared>>) target(%dma_start3A_107 : memref<128xi32, #tpu.memory_space<vmem>>) offsets(%dma_start3A_109 : memref<128xi32, #tpu.memory_space<vmem>>) semaphore(%arg13 : memref<!tpu.dma_semaphore, #tpu.memory_space<semaphore_mem>>)
    %dma_start3A_112 = arith.constant 2176 : i32
    %dma_start3A_113 = tpu.memref_slice %arg8[%dma_start3A_112] : memref<6400xi32, #tpu.memory_space<vmem>> -> memref<128xi32, #tpu.memory_space<vmem>>
    %dma_start3A_114 = arith.constant 2176 : i32
    %dma_start3A_115 = tpu.memref_slice %arg6[%dma_start3A_114] : memref<6400xi32, #tpu.memory_space<vmem>> -> memref<128xi32, #tpu.memory_space<vmem>>
    %dma_start3A_116 = arith.constant 0 : i32
    %dma_start3A_117 = tpu.memref_slice %arg5[%dma_start3A_116] : memref<50008xi32, #tpu.memory_space<vmem_shared>> -> memref<50008xi32, #tpu.memory_space<vmem_shared>>
    tpu.enqueue_indirect_dma source(%dma_start3A_117 : memref<50008xi32, #tpu.memory_space<vmem_shared>>) target(%dma_start3A_113 : memref<128xi32, #tpu.memory_space<vmem>>) offsets(%dma_start3A_115 : memref<128xi32, #tpu.memory_space<vmem>>) semaphore(%arg13 : memref<!tpu.dma_semaphore, #tpu.memory_space<semaphore_mem>>)
    %dma_start3A_118 = arith.constant 2304 : i32
    %dma_start3A_119 = tpu.memref_slice %arg8[%dma_start3A_118] : memref<6400xi32, #tpu.memory_space<vmem>> -> memref<128xi32, #tpu.memory_space<vmem>>
    %dma_start3A_120 = arith.constant 2304 : i32
    %dma_start3A_121 = tpu.memref_slice %arg6[%dma_start3A_120] : memref<6400xi32, #tpu.memory_space<vmem>> -> memref<128xi32, #tpu.memory_space<vmem>>
    %dma_start3A_122 = arith.constant 0 : i32
    %dma_start3A_123 = tpu.memref_slice %arg5[%dma_start3A_122] : memref<50008xi32, #tpu.memory_space<vmem_shared>> -> memref<50008xi32, #tpu.memory_space<vmem_shared>>
    tpu.enqueue_indirect_dma source(%dma_start3A_123 : memref<50008xi32, #tpu.memory_space<vmem_shared>>) target(%dma_start3A_119 : memref<128xi32, #tpu.memory_space<vmem>>) offsets(%dma_start3A_121 : memref<128xi32, #tpu.memory_space<vmem>>) semaphore(%arg13 : memref<!tpu.dma_semaphore, #tpu.memory_space<semaphore_mem>>)
    %dma_start3A_124 = arith.constant 2432 : i32
    %dma_start3A_125 = tpu.memref_slice %arg8[%dma_start3A_124] : memref<6400xi32, #tpu.memory_space<vmem>> -> memref<128xi32, #tpu.memory_space<vmem>>
    %dma_start3A_126 = arith.constant 2432 : i32
    %dma_start3A_127 = tpu.memref_slice %arg6[%dma_start3A_126] : memref<6400xi32, #tpu.memory_space<vmem>> -> memref<128xi32, #tpu.memory_space<vmem>>
    %dma_start3A_128 = arith.constant 0 : i32
    %dma_start3A_129 = tpu.memref_slice %arg5[%dma_start3A_128] : memref<50008xi32, #tpu.memory_space<vmem_shared>> -> memref<50008xi32, #tpu.memory_space<vmem_shared>>
    tpu.enqueue_indirect_dma source(%dma_start3A_129 : memref<50008xi32, #tpu.memory_space<vmem_shared>>) target(%dma_start3A_125 : memref<128xi32, #tpu.memory_space<vmem>>) offsets(%dma_start3A_127 : memref<128xi32, #tpu.memory_space<vmem>>) semaphore(%arg13 : memref<!tpu.dma_semaphore, #tpu.memory_space<semaphore_mem>>)
    %dma_start3A_130 = arith.constant 2560 : i32
    %dma_start3A_131 = tpu.memref_slice %arg8[%dma_start3A_130] : memref<6400xi32, #tpu.memory_space<vmem>> -> memref<128xi32, #tpu.memory_space<vmem>>
    %dma_start3A_132 = arith.constant 2560 : i32
    %dma_start3A_133 = tpu.memref_slice %arg6[%dma_start3A_132] : memref<6400xi32, #tpu.memory_space<vmem>> -> memref<128xi32, #tpu.memory_space<vmem>>
    %dma_start3A_134 = arith.constant 0 : i32
    %dma_start3A_135 = tpu.memref_slice %arg5[%dma_start3A_134] : memref<50008xi32, #tpu.memory_space<vmem_shared>> -> memref<50008xi32, #tpu.memory_space<vmem_shared>>
    tpu.enqueue_indirect_dma source(%dma_start3A_135 : memref<50008xi32, #tpu.memory_space<vmem_shared>>) target(%dma_start3A_131 : memref<128xi32, #tpu.memory_space<vmem>>) offsets(%dma_start3A_133 : memref<128xi32, #tpu.memory_space<vmem>>) semaphore(%arg13 : memref<!tpu.dma_semaphore, #tpu.memory_space<semaphore_mem>>)
    %dma_start3A_136 = arith.constant 2688 : i32
    %dma_start3A_137 = tpu.memref_slice %arg8[%dma_start3A_136] : memref<6400xi32, #tpu.memory_space<vmem>> -> memref<128xi32, #tpu.memory_space<vmem>>
    %dma_start3A_138 = arith.constant 2688 : i32
    %dma_start3A_139 = tpu.memref_slice %arg6[%dma_start3A_138] : memref<6400xi32, #tpu.memory_space<vmem>> -> memref<128xi32, #tpu.memory_space<vmem>>
    %dma_start3A_140 = arith.constant 0 : i32
    %dma_start3A_141 = tpu.memref_slice %arg5[%dma_start3A_140] : memref<50008xi32, #tpu.memory_space<vmem_shared>> -> memref<50008xi32, #tpu.memory_space<vmem_shared>>
    tpu.enqueue_indirect_dma source(%dma_start3A_141 : memref<50008xi32, #tpu.memory_space<vmem_shared>>) target(%dma_start3A_137 : memref<128xi32, #tpu.memory_space<vmem>>) offsets(%dma_start3A_139 : memref<128xi32, #tpu.memory_space<vmem>>) semaphore(%arg13 : memref<!tpu.dma_semaphore, #tpu.memory_space<semaphore_mem>>)
    %dma_start3A_142 = arith.constant 2816 : i32
    %dma_start3A_143 = tpu.memref_slice %arg8[%dma_start3A_142] : memref<6400xi32, #tpu.memory_space<vmem>> -> memref<128xi32, #tpu.memory_space<vmem>>
    %dma_start3A_144 = arith.constant 2816 : i32
    %dma_start3A_145 = tpu.memref_slice %arg6[%dma_start3A_144] : memref<6400xi32, #tpu.memory_space<vmem>> -> memref<128xi32, #tpu.memory_space<vmem>>
    %dma_start3A_146 = arith.constant 0 : i32
    %dma_start3A_147 = tpu.memref_slice %arg5[%dma_start3A_146] : memref<50008xi32, #tpu.memory_space<vmem_shared>> -> memref<50008xi32, #tpu.memory_space<vmem_shared>>
    tpu.enqueue_indirect_dma source(%dma_start3A_147 : memref<50008xi32, #tpu.memory_space<vmem_shared>>) target(%dma_start3A_143 : memref<128xi32, #tpu.memory_space<vmem>>) offsets(%dma_start3A_145 : memref<128xi32, #tpu.memory_space<vmem>>) semaphore(%arg13 : memref<!tpu.dma_semaphore, #tpu.memory_space<semaphore_mem>>)
    %dma_start3A_148 = arith.constant 2944 : i32
    %dma_start3A_149 = tpu.memref_slice %arg8[%dma_start3A_148] : memref<6400xi32, #tpu.memory_space<vmem>> -> memref<128xi32, #tpu.memory_space<vmem>>
    %dma_start3A_150 = arith.constant 2944 : i32
    %dma_start3A_151 = tpu.memref_slice %arg6[%dma_start3A_150] : memref<6400xi32, #tpu.memory_space<vmem>> -> memref<128xi32, #tpu.memory_space<vmem>>
    %dma_start3A_152 = arith.constant 0 : i32
    %dma_start3A_153 = tpu.memref_slice %arg5[%dma_start3A_152] : memref<50008xi32, #tpu.memory_space<vmem_shared>> -> memref<50008xi32, #tpu.memory_space<vmem_shared>>
    tpu.enqueue_indirect_dma source(%dma_start3A_153 : memref<50008xi32, #tpu.memory_space<vmem_shared>>) target(%dma_start3A_149 : memref<128xi32, #tpu.memory_space<vmem>>) offsets(%dma_start3A_151 : memref<128xi32, #tpu.memory_space<vmem>>) semaphore(%arg13 : memref<!tpu.dma_semaphore, #tpu.memory_space<semaphore_mem>>)
    %dma_start3A_154 = arith.constant 3072 : i32
    %dma_start3A_155 = tpu.memref_slice %arg8[%dma_start3A_154] : memref<6400xi32, #tpu.memory_space<vmem>> -> memref<128xi32, #tpu.memory_space<vmem>>
    %dma_start3A_156 = arith.constant 3072 : i32
    %dma_start3A_157 = tpu.memref_slice %arg6[%dma_start3A_156] : memref<6400xi32, #tpu.memory_space<vmem>> -> memref<128xi32, #tpu.memory_space<vmem>>
    %dma_start3A_158 = arith.constant 0 : i32
    %dma_start3A_159 = tpu.memref_slice %arg5[%dma_start3A_158] : memref<50008xi32, #tpu.memory_space<vmem_shared>> -> memref<50008xi32, #tpu.memory_space<vmem_shared>>
    tpu.enqueue_indirect_dma source(%dma_start3A_159 : memref<50008xi32, #tpu.memory_space<vmem_shared>>) target(%dma_start3A_155 : memref<128xi32, #tpu.memory_space<vmem>>) offsets(%dma_start3A_157 : memref<128xi32, #tpu.memory_space<vmem>>) semaphore(%arg13 : memref<!tpu.dma_semaphore, #tpu.memory_space<semaphore_mem>>)
    %dma_start3A_160 = arith.constant 3200 : i32
    %dma_start3A_161 = tpu.memref_slice %arg8[%dma_start3A_160] : memref<6400xi32, #tpu.memory_space<vmem>> -> memref<128xi32, #tpu.memory_space<vmem>>
    %dma_start3A_162 = arith.constant 3200 : i32
    %dma_start3A_163 = tpu.memref_slice %arg6[%dma_start3A_162] : memref<6400xi32, #tpu.memory_space<vmem>> -> memref<128xi32, #tpu.memory_space<vmem>>
    %dma_start3A_164 = arith.constant 0 : i32
    %dma_start3A_165 = tpu.memref_slice %arg5[%dma_start3A_164] : memref<50008xi32, #tpu.memory_space<vmem_shared>> -> memref<50008xi32, #tpu.memory_space<vmem_shared>>
    tpu.enqueue_indirect_dma source(%dma_start3A_165 : memref<50008xi32, #tpu.memory_space<vmem_shared>>) target(%dma_start3A_161 : memref<128xi32, #tpu.memory_space<vmem>>) offsets(%dma_start3A_163 : memref<128xi32, #tpu.memory_space<vmem>>) semaphore(%arg13 : memref<!tpu.dma_semaphore, #tpu.memory_space<semaphore_mem>>)
    %dma_start3A_166 = arith.constant 3328 : i32
    %dma_start3A_167 = tpu.memref_slice %arg8[%dma_start3A_166] : memref<6400xi32, #tpu.memory_space<vmem>> -> memref<128xi32, #tpu.memory_space<vmem>>
    %dma_start3A_168 = arith.constant 3328 : i32
    %dma_start3A_169 = tpu.memref_slice %arg6[%dma_start3A_168] : memref<6400xi32, #tpu.memory_space<vmem>> -> memref<128xi32, #tpu.memory_space<vmem>>
    %dma_start3A_170 = arith.constant 0 : i32
    %dma_start3A_171 = tpu.memref_slice %arg5[%dma_start3A_170] : memref<50008xi32, #tpu.memory_space<vmem_shared>> -> memref<50008xi32, #tpu.memory_space<vmem_shared>>
    tpu.enqueue_indirect_dma source(%dma_start3A_171 : memref<50008xi32, #tpu.memory_space<vmem_shared>>) target(%dma_start3A_167 : memref<128xi32, #tpu.memory_space<vmem>>) offsets(%dma_start3A_169 : memref<128xi32, #tpu.memory_space<vmem>>) semaphore(%arg13 : memref<!tpu.dma_semaphore, #tpu.memory_space<semaphore_mem>>)
    %dma_start3A_172 = arith.constant 3456 : i32
    %dma_start3A_173 = tpu.memref_slice %arg8[%dma_start3A_172] : memref<6400xi32, #tpu.memory_space<vmem>> -> memref<128xi32, #tpu.memory_space<vmem>>
    %dma_start3A_174 = arith.constant 3456 : i32
    %dma_start3A_175 = tpu.memref_slice %arg6[%dma_start3A_174] : memref<6400xi32, #tpu.memory_space<vmem>> -> memref<128xi32, #tpu.memory_space<vmem>>
    %dma_start3A_176 = arith.constant 0 : i32
    %dma_start3A_177 = tpu.memref_slice %arg5[%dma_start3A_176] : memref<50008xi32, #tpu.memory_space<vmem_shared>> -> memref<50008xi32, #tpu.memory_space<vmem_shared>>
    tpu.enqueue_indirect_dma source(%dma_start3A_177 : memref<50008xi32, #tpu.memory_space<vmem_shared>>) target(%dma_start3A_173 : memref<128xi32, #tpu.memory_space<vmem>>) offsets(%dma_start3A_175 : memref<128xi32, #tpu.memory_space<vmem>>) semaphore(%arg13 : memref<!tpu.dma_semaphore, #tpu.memory_space<semaphore_mem>>)
    %dma_start3A_178 = arith.constant 3584 : i32
    %dma_start3A_179 = tpu.memref_slice %arg8[%dma_start3A_178] : memref<6400xi32, #tpu.memory_space<vmem>> -> memref<128xi32, #tpu.memory_space<vmem>>
    %dma_start3A_180 = arith.constant 3584 : i32
    %dma_start3A_181 = tpu.memref_slice %arg6[%dma_start3A_180] : memref<6400xi32, #tpu.memory_space<vmem>> -> memref<128xi32, #tpu.memory_space<vmem>>
    %dma_start3A_182 = arith.constant 0 : i32
    %dma_start3A_183 = tpu.memref_slice %arg5[%dma_start3A_182] : memref<50008xi32, #tpu.memory_space<vmem_shared>> -> memref<50008xi32, #tpu.memory_space<vmem_shared>>
    tpu.enqueue_indirect_dma source(%dma_start3A_183 : memref<50008xi32, #tpu.memory_space<vmem_shared>>) target(%dma_start3A_179 : memref<128xi32, #tpu.memory_space<vmem>>) offsets(%dma_start3A_181 : memref<128xi32, #tpu.memory_space<vmem>>) semaphore(%arg13 : memref<!tpu.dma_semaphore, #tpu.memory_space<semaphore_mem>>)
    %dma_start3A_184 = arith.constant 3712 : i32
    %dma_start3A_185 = tpu.memref_slice %arg8[%dma_start3A_184] : memref<6400xi32, #tpu.memory_space<vmem>> -> memref<128xi32, #tpu.memory_space<vmem>>
    %dma_start3A_186 = arith.constant 3712 : i32
    %dma_start3A_187 = tpu.memref_slice %arg6[%dma_start3A_186] : memref<6400xi32, #tpu.memory_space<vmem>> -> memref<128xi32, #tpu.memory_space<vmem>>
    %dma_start3A_188 = arith.constant 0 : i32
    %dma_start3A_189 = tpu.memref_slice %arg5[%dma_start3A_188] : memref<50008xi32, #tpu.memory_space<vmem_shared>> -> memref<50008xi32, #tpu.memory_space<vmem_shared>>
    tpu.enqueue_indirect_dma source(%dma_start3A_189 : memref<50008xi32, #tpu.memory_space<vmem_shared>>) target(%dma_start3A_185 : memref<128xi32, #tpu.memory_space<vmem>>) offsets(%dma_start3A_187 : memref<128xi32, #tpu.memory_space<vmem>>) semaphore(%arg13 : memref<!tpu.dma_semaphore, #tpu.memory_space<semaphore_mem>>)
    %dma_start3A_190 = arith.constant 3840 : i32
    %dma_start3A_191 = tpu.memref_slice %arg8[%dma_start3A_190] : memref<6400xi32, #tpu.memory_space<vmem>> -> memref<128xi32, #tpu.memory_space<vmem>>
    %dma_start3A_192 = arith.constant 3840 : i32
    %dma_start3A_193 = tpu.memref_slice %arg6[%dma_start3A_192] : memref<6400xi32, #tpu.memory_space<vmem>> -> memref<128xi32, #tpu.memory_space<vmem>>
    %dma_start3A_194 = arith.constant 0 : i32
    %dma_start3A_195 = tpu.memref_slice %arg5[%dma_start3A_194] : memref<50008xi32, #tpu.memory_space<vmem_shared>> -> memref<50008xi32, #tpu.memory_space<vmem_shared>>
    tpu.enqueue_indirect_dma source(%dma_start3A_195 : memref<50008xi32, #tpu.memory_space<vmem_shared>>) target(%dma_start3A_191 : memref<128xi32, #tpu.memory_space<vmem>>) offsets(%dma_start3A_193 : memref<128xi32, #tpu.memory_space<vmem>>) semaphore(%arg13 : memref<!tpu.dma_semaphore, #tpu.memory_space<semaphore_mem>>)
    %dma_start3A_196 = arith.constant 3968 : i32
    %dma_start3A_197 = tpu.memref_slice %arg8[%dma_start3A_196] : memref<6400xi32, #tpu.memory_space<vmem>> -> memref<128xi32, #tpu.memory_space<vmem>>
    %dma_start3A_198 = arith.constant 3968 : i32
    %dma_start3A_199 = tpu.memref_slice %arg6[%dma_start3A_198] : memref<6400xi32, #tpu.memory_space<vmem>> -> memref<128xi32, #tpu.memory_space<vmem>>
    %dma_start3A_200 = arith.constant 0 : i32
    %dma_start3A_201 = tpu.memref_slice %arg5[%dma_start3A_200] : memref<50008xi32, #tpu.memory_space<vmem_shared>> -> memref<50008xi32, #tpu.memory_space<vmem_shared>>
    tpu.enqueue_indirect_dma source(%dma_start3A_201 : memref<50008xi32, #tpu.memory_space<vmem_shared>>) target(%dma_start3A_197 : memref<128xi32, #tpu.memory_space<vmem>>) offsets(%dma_start3A_199 : memref<128xi32, #tpu.memory_space<vmem>>) semaphore(%arg13 : memref<!tpu.dma_semaphore, #tpu.memory_space<semaphore_mem>>)
    %dma_start3A_202 = arith.constant 4096 : i32
    %dma_start3A_203 = tpu.memref_slice %arg8[%dma_start3A_202] : memref<6400xi32, #tpu.memory_space<vmem>> -> memref<128xi32, #tpu.memory_space<vmem>>
    %dma_start3A_204 = arith.constant 4096 : i32
    %dma_start3A_205 = tpu.memref_slice %arg6[%dma_start3A_204] : memref<6400xi32, #tpu.memory_space<vmem>> -> memref<128xi32, #tpu.memory_space<vmem>>
    %dma_start3A_206 = arith.constant 0 : i32
    %dma_start3A_207 = tpu.memref_slice %arg5[%dma_start3A_206] : memref<50008xi32, #tpu.memory_space<vmem_shared>> -> memref<50008xi32, #tpu.memory_space<vmem_shared>>
    tpu.enqueue_indirect_dma source(%dma_start3A_207 : memref<50008xi32, #tpu.memory_space<vmem_shared>>) target(%dma_start3A_203 : memref<128xi32, #tpu.memory_space<vmem>>) offsets(%dma_start3A_205 : memref<128xi32, #tpu.memory_space<vmem>>) semaphore(%arg13 : memref<!tpu.dma_semaphore, #tpu.memory_space<semaphore_mem>>)
    %dma_start3A_208 = arith.constant 4224 : i32
    %dma_start3A_209 = tpu.memref_slice %arg8[%dma_start3A_208] : memref<6400xi32, #tpu.memory_space<vmem>> -> memref<128xi32, #tpu.memory_space<vmem>>
    %dma_start3A_210 = arith.constant 4224 : i32
    %dma_start3A_211 = tpu.memref_slice %arg6[%dma_start3A_210] : memref<6400xi32, #tpu.memory_space<vmem>> -> memref<128xi32, #tpu.memory_space<vmem>>
    %dma_start3A_212 = arith.constant 0 : i32
    %dma_start3A_213 = tpu.memref_slice %arg5[%dma_start3A_212] : memref<50008xi32, #tpu.memory_space<vmem_shared>> -> memref<50008xi32, #tpu.memory_space<vmem_shared>>
    tpu.enqueue_indirect_dma source(%dma_start3A_213 : memref<50008xi32, #tpu.memory_space<vmem_shared>>) target(%dma_start3A_209 : memref<128xi32, #tpu.memory_space<vmem>>) offsets(%dma_start3A_211 : memref<128xi32, #tpu.memory_space<vmem>>) semaphore(%arg13 : memref<!tpu.dma_semaphore, #tpu.memory_space<semaphore_mem>>)
    %dma_start3A_214 = arith.constant 4352 : i32
    %dma_start3A_215 = tpu.memref_slice %arg8[%dma_start3A_214] : memref<6400xi32, #tpu.memory_space<vmem>> -> memref<128xi32, #tpu.memory_space<vmem>>
    %dma_start3A_216 = arith.constant 4352 : i32
    %dma_start3A_217 = tpu.memref_slice %arg6[%dma_start3A_216] : memref<6400xi32, #tpu.memory_space<vmem>> -> memref<128xi32, #tpu.memory_space<vmem>>
    %dma_start3A_218 = arith.constant 0 : i32
    %dma_start3A_219 = tpu.memref_slice %arg5[%dma_start3A_218] : memref<50008xi32, #tpu.memory_space<vmem_shared>> -> memref<50008xi32, #tpu.memory_space<vmem_shared>>
    tpu.enqueue_indirect_dma source(%dma_start3A_219 : memref<50008xi32, #tpu.memory_space<vmem_shared>>) target(%dma_start3A_215 : memref<128xi32, #tpu.memory_space<vmem>>) offsets(%dma_start3A_217 : memref<128xi32, #tpu.memory_space<vmem>>) semaphore(%arg13 : memref<!tpu.dma_semaphore, #tpu.memory_space<semaphore_mem>>)
    %dma_start3A_220 = arith.constant 4480 : i32
    %dma_start3A_221 = tpu.memref_slice %arg8[%dma_start3A_220] : memref<6400xi32, #tpu.memory_space<vmem>> -> memref<128xi32, #tpu.memory_space<vmem>>
    %dma_start3A_222 = arith.constant 4480 : i32
    %dma_start3A_223 = tpu.memref_slice %arg6[%dma_start3A_222] : memref<6400xi32, #tpu.memory_space<vmem>> -> memref<128xi32, #tpu.memory_space<vmem>>
    %dma_start3A_224 = arith.constant 0 : i32
    %dma_start3A_225 = tpu.memref_slice %arg5[%dma_start3A_224] : memref<50008xi32, #tpu.memory_space<vmem_shared>> -> memref<50008xi32, #tpu.memory_space<vmem_shared>>
    tpu.enqueue_indirect_dma source(%dma_start3A_225 : memref<50008xi32, #tpu.memory_space<vmem_shared>>) target(%dma_start3A_221 : memref<128xi32, #tpu.memory_space<vmem>>) offsets(%dma_start3A_223 : memref<128xi32, #tpu.memory_space<vmem>>) semaphore(%arg13 : memref<!tpu.dma_semaphore, #tpu.memory_space<semaphore_mem>>)
    %dma_start3A_226 = arith.constant 4608 : i32
    %dma_start3A_227 = tpu.memref_slice %arg8[%dma_start3A_226] : memref<6400xi32, #tpu.memory_space<vmem>> -> memref<128xi32, #tpu.memory_space<vmem>>
    %dma_start3A_228 = arith.constant 4608 : i32
    %dma_start3A_229 = tpu.memref_slice %arg6[%dma_start3A_228] : memref<6400xi32, #tpu.memory_space<vmem>> -> memref<128xi32, #tpu.memory_space<vmem>>
    %dma_start3A_230 = arith.constant 0 : i32
    %dma_start3A_231 = tpu.memref_slice %arg5[%dma_start3A_230] : memref<50008xi32, #tpu.memory_space<vmem_shared>> -> memref<50008xi32, #tpu.memory_space<vmem_shared>>
    tpu.enqueue_indirect_dma source(%dma_start3A_231 : memref<50008xi32, #tpu.memory_space<vmem_shared>>) target(%dma_start3A_227 : memref<128xi32, #tpu.memory_space<vmem>>) offsets(%dma_start3A_229 : memref<128xi32, #tpu.memory_space<vmem>>) semaphore(%arg13 : memref<!tpu.dma_semaphore, #tpu.memory_space<semaphore_mem>>)
    %dma_start3A_232 = arith.constant 4736 : i32
    %dma_start3A_233 = tpu.memref_slice %arg8[%dma_start3A_232] : memref<6400xi32, #tpu.memory_space<vmem>> -> memref<128xi32, #tpu.memory_space<vmem>>
    %dma_start3A_234 = arith.constant 4736 : i32
    %dma_start3A_235 = tpu.memref_slice %arg6[%dma_start3A_234] : memref<6400xi32, #tpu.memory_space<vmem>> -> memref<128xi32, #tpu.memory_space<vmem>>
    %dma_start3A_236 = arith.constant 0 : i32
    %dma_start3A_237 = tpu.memref_slice %arg5[%dma_start3A_236] : memref<50008xi32, #tpu.memory_space<vmem_shared>> -> memref<50008xi32, #tpu.memory_space<vmem_shared>>
    tpu.enqueue_indirect_dma source(%dma_start3A_237 : memref<50008xi32, #tpu.memory_space<vmem_shared>>) target(%dma_start3A_233 : memref<128xi32, #tpu.memory_space<vmem>>) offsets(%dma_start3A_235 : memref<128xi32, #tpu.memory_space<vmem>>) semaphore(%arg13 : memref<!tpu.dma_semaphore, #tpu.memory_space<semaphore_mem>>)
    %dma_start3A_238 = arith.constant 4864 : i32
    %dma_start3A_239 = tpu.memref_slice %arg8[%dma_start3A_238] : memref<6400xi32, #tpu.memory_space<vmem>> -> memref<128xi32, #tpu.memory_space<vmem>>
    %dma_start3A_240 = arith.constant 4864 : i32
    %dma_start3A_241 = tpu.memref_slice %arg6[%dma_start3A_240] : memref<6400xi32, #tpu.memory_space<vmem>> -> memref<128xi32, #tpu.memory_space<vmem>>
    %dma_start3A_242 = arith.constant 0 : i32
    %dma_start3A_243 = tpu.memref_slice %arg5[%dma_start3A_242] : memref<50008xi32, #tpu.memory_space<vmem_shared>> -> memref<50008xi32, #tpu.memory_space<vmem_shared>>
    tpu.enqueue_indirect_dma source(%dma_start3A_243 : memref<50008xi32, #tpu.memory_space<vmem_shared>>) target(%dma_start3A_239 : memref<128xi32, #tpu.memory_space<vmem>>) offsets(%dma_start3A_241 : memref<128xi32, #tpu.memory_space<vmem>>) semaphore(%arg13 : memref<!tpu.dma_semaphore, #tpu.memory_space<semaphore_mem>>)
    %dma_start3A_244 = arith.constant 4992 : i32
    %dma_start3A_245 = tpu.memref_slice %arg8[%dma_start3A_244] : memref<6400xi32, #tpu.memory_space<vmem>> -> memref<128xi32, #tpu.memory_space<vmem>>
    %dma_start3A_246 = arith.constant 4992 : i32
    %dma_start3A_247 = tpu.memref_slice %arg6[%dma_start3A_246] : memref<6400xi32, #tpu.memory_space<vmem>> -> memref<128xi32, #tpu.memory_space<vmem>>
    %dma_start3A_248 = arith.constant 0 : i32
    %dma_start3A_249 = tpu.memref_slice %arg5[%dma_start3A_248] : memref<50008xi32, #tpu.memory_space<vmem_shared>> -> memref<50008xi32, #tpu.memory_space<vmem_shared>>
    tpu.enqueue_indirect_dma source(%dma_start3A_249 : memref<50008xi32, #tpu.memory_space<vmem_shared>>) target(%dma_start3A_245 : memref<128xi32, #tpu.memory_space<vmem>>) offsets(%dma_start3A_247 : memref<128xi32, #tpu.memory_space<vmem>>) semaphore(%arg13 : memref<!tpu.dma_semaphore, #tpu.memory_space<semaphore_mem>>)
    %dma_start3A_250 = arith.constant 5120 : i32
    %dma_start3A_251 = tpu.memref_slice %arg8[%dma_start3A_250] : memref<6400xi32, #tpu.memory_space<vmem>> -> memref<128xi32, #tpu.memory_space<vmem>>
    %dma_start3A_252 = arith.constant 5120 : i32
    %dma_start3A_253 = tpu.memref_slice %arg6[%dma_start3A_252] : memref<6400xi32, #tpu.memory_space<vmem>> -> memref<128xi32, #tpu.memory_space<vmem>>
    %dma_start3A_254 = arith.constant 0 : i32
    %dma_start3A_255 = tpu.memref_slice %arg5[%dma_start3A_254] : memref<50008xi32, #tpu.memory_space<vmem_shared>> -> memref<50008xi32, #tpu.memory_space<vmem_shared>>
    tpu.enqueue_indirect_dma source(%dma_start3A_255 : memref<50008xi32, #tpu.memory_space<vmem_shared>>) target(%dma_start3A_251 : memref<128xi32, #tpu.memory_space<vmem>>) offsets(%dma_start3A_253 : memref<128xi32, #tpu.memory_space<vmem>>) semaphore(%arg13 : memref<!tpu.dma_semaphore, #tpu.memory_space<semaphore_mem>>)
    %dma_start3A_256 = arith.constant 5248 : i32
    %dma_start3A_257 = tpu.memref_slice %arg8[%dma_start3A_256] : memref<6400xi32, #tpu.memory_space<vmem>> -> memref<128xi32, #tpu.memory_space<vmem>>
    %dma_start3A_258 = arith.constant 5248 : i32
    %dma_start3A_259 = tpu.memref_slice %arg6[%dma_start3A_258] : memref<6400xi32, #tpu.memory_space<vmem>> -> memref<128xi32, #tpu.memory_space<vmem>>
    %dma_start3A_260 = arith.constant 0 : i32
    %dma_start3A_261 = tpu.memref_slice %arg5[%dma_start3A_260] : memref<50008xi32, #tpu.memory_space<vmem_shared>> -> memref<50008xi32, #tpu.memory_space<vmem_shared>>
    tpu.enqueue_indirect_dma source(%dma_start3A_261 : memref<50008xi32, #tpu.memory_space<vmem_shared>>) target(%dma_start3A_257 : memref<128xi32, #tpu.memory_space<vmem>>) offsets(%dma_start3A_259 : memref<128xi32, #tpu.memory_space<vmem>>) semaphore(%arg13 : memref<!tpu.dma_semaphore, #tpu.memory_space<semaphore_mem>>)
    %dma_start3A_262 = arith.constant 5376 : i32
    %dma_start3A_263 = tpu.memref_slice %arg8[%dma_start3A_262] : memref<6400xi32, #tpu.memory_space<vmem>> -> memref<128xi32, #tpu.memory_space<vmem>>
    %dma_start3A_264 = arith.constant 5376 : i32
    %dma_start3A_265 = tpu.memref_slice %arg6[%dma_start3A_264] : memref<6400xi32, #tpu.memory_space<vmem>> -> memref<128xi32, #tpu.memory_space<vmem>>
    %dma_start3A_266 = arith.constant 0 : i32
    %dma_start3A_267 = tpu.memref_slice %arg5[%dma_start3A_266] : memref<50008xi32, #tpu.memory_space<vmem_shared>> -> memref<50008xi32, #tpu.memory_space<vmem_shared>>
    tpu.enqueue_indirect_dma source(%dma_start3A_267 : memref<50008xi32, #tpu.memory_space<vmem_shared>>) target(%dma_start3A_263 : memref<128xi32, #tpu.memory_space<vmem>>) offsets(%dma_start3A_265 : memref<128xi32, #tpu.memory_space<vmem>>) semaphore(%arg13 : memref<!tpu.dma_semaphore, #tpu.memory_space<semaphore_mem>>)
    %dma_start3A_268 = arith.constant 5504 : i32
    %dma_start3A_269 = tpu.memref_slice %arg8[%dma_start3A_268] : memref<6400xi32, #tpu.memory_space<vmem>> -> memref<128xi32, #tpu.memory_space<vmem>>
    %dma_start3A_270 = arith.constant 5504 : i32
    %dma_start3A_271 = tpu.memref_slice %arg6[%dma_start3A_270] : memref<6400xi32, #tpu.memory_space<vmem>> -> memref<128xi32, #tpu.memory_space<vmem>>
    %dma_start3A_272 = arith.constant 0 : i32
    %dma_start3A_273 = tpu.memref_slice %arg5[%dma_start3A_272] : memref<50008xi32, #tpu.memory_space<vmem_shared>> -> memref<50008xi32, #tpu.memory_space<vmem_shared>>
    tpu.enqueue_indirect_dma source(%dma_start3A_273 : memref<50008xi32, #tpu.memory_space<vmem_shared>>) target(%dma_start3A_269 : memref<128xi32, #tpu.memory_space<vmem>>) offsets(%dma_start3A_271 : memref<128xi32, #tpu.memory_space<vmem>>) semaphore(%arg13 : memref<!tpu.dma_semaphore, #tpu.memory_space<semaphore_mem>>)
    %dma_start3A_274 = arith.constant 5632 : i32
    %dma_start3A_275 = tpu.memref_slice %arg8[%dma_start3A_274] : memref<6400xi32, #tpu.memory_space<vmem>> -> memref<128xi32, #tpu.memory_space<vmem>>
    %dma_start3A_276 = arith.constant 5632 : i32
    %dma_start3A_277 = tpu.memref_slice %arg6[%dma_start3A_276] : memref<6400xi32, #tpu.memory_space<vmem>> -> memref<128xi32, #tpu.memory_space<vmem>>
    %dma_start3A_278 = arith.constant 0 : i32
    %dma_start3A_279 = tpu.memref_slice %arg5[%dma_start3A_278] : memref<50008xi32, #tpu.memory_space<vmem_shared>> -> memref<50008xi32, #tpu.memory_space<vmem_shared>>
    tpu.enqueue_indirect_dma source(%dma_start3A_279 : memref<50008xi32, #tpu.memory_space<vmem_shared>>) target(%dma_start3A_275 : memref<128xi32, #tpu.memory_space<vmem>>) offsets(%dma_start3A_277 : memref<128xi32, #tpu.memory_space<vmem>>) semaphore(%arg13 : memref<!tpu.dma_semaphore, #tpu.memory_space<semaphore_mem>>)
    %dma_start3A_280 = arith.constant 5760 : i32
    %dma_start3A_281 = tpu.memref_slice %arg8[%dma_start3A_280] : memref<6400xi32, #tpu.memory_space<vmem>> -> memref<128xi32, #tpu.memory_space<vmem>>
    %dma_start3A_282 = arith.constant 5760 : i32
    %dma_start3A_283 = tpu.memref_slice %arg6[%dma_start3A_282] : memref<6400xi32, #tpu.memory_space<vmem>> -> memref<128xi32, #tpu.memory_space<vmem>>
    %dma_start3A_284 = arith.constant 0 : i32
    %dma_start3A_285 = tpu.memref_slice %arg5[%dma_start3A_284] : memref<50008xi32, #tpu.memory_space<vmem_shared>> -> memref<50008xi32, #tpu.memory_space<vmem_shared>>
    tpu.enqueue_indirect_dma source(%dma_start3A_285 : memref<50008xi32, #tpu.memory_space<vmem_shared>>) target(%dma_start3A_281 : memref<128xi32, #tpu.memory_space<vmem>>) offsets(%dma_start3A_283 : memref<128xi32, #tpu.memory_space<vmem>>) semaphore(%arg13 : memref<!tpu.dma_semaphore, #tpu.memory_space<semaphore_mem>>)
    %dma_start3A_286 = arith.constant 5888 : i32
    %dma_start3A_287 = tpu.memref_slice %arg8[%dma_start3A_286] : memref<6400xi32, #tpu.memory_space<vmem>> -> memref<128xi32, #tpu.memory_space<vmem>>
    %dma_start3A_288 = arith.constant 5888 : i32
    %dma_start3A_289 = tpu.memref_slice %arg6[%dma_start3A_288] : memref<6400xi32, #tpu.memory_space<vmem>> -> memref<128xi32, #tpu.memory_space<vmem>>
    %dma_start3A_290 = arith.constant 0 : i32
    %dma_start3A_291 = tpu.memref_slice %arg5[%dma_start3A_290] : memref<50008xi32, #tpu.memory_space<vmem_shared>> -> memref<50008xi32, #tpu.memory_space<vmem_shared>>
    tpu.enqueue_indirect_dma source(%dma_start3A_291 : memref<50008xi32, #tpu.memory_space<vmem_shared>>) target(%dma_start3A_287 : memref<128xi32, #tpu.memory_space<vmem>>) offsets(%dma_start3A_289 : memref<128xi32, #tpu.memory_space<vmem>>) semaphore(%arg13 : memref<!tpu.dma_semaphore, #tpu.memory_space<semaphore_mem>>)
    %dma_start3A_292 = arith.constant 6016 : i32
    %dma_start3A_293 = tpu.memref_slice %arg8[%dma_start3A_292] : memref<6400xi32, #tpu.memory_space<vmem>> -> memref<128xi32, #tpu.memory_space<vmem>>
    %dma_start3A_294 = arith.constant 6016 : i32
    %dma_start3A_295 = tpu.memref_slice %arg6[%dma_start3A_294] : memref<6400xi32, #tpu.memory_space<vmem>> -> memref<128xi32, #tpu.memory_space<vmem>>
    %dma_start3A_296 = arith.constant 0 : i32
    %dma_start3A_297 = tpu.memref_slice %arg5[%dma_start3A_296] : memref<50008xi32, #tpu.memory_space<vmem_shared>> -> memref<50008xi32, #tpu.memory_space<vmem_shared>>
    tpu.enqueue_indirect_dma source(%dma_start3A_297 : memref<50008xi32, #tpu.memory_space<vmem_shared>>) target(%dma_start3A_293 : memref<128xi32, #tpu.memory_space<vmem>>) offsets(%dma_start3A_295 : memref<128xi32, #tpu.memory_space<vmem>>) semaphore(%arg13 : memref<!tpu.dma_semaphore, #tpu.memory_space<semaphore_mem>>)
    %dma_start3A_298 = arith.constant 6144 : i32
    %dma_start3A_299 = tpu.memref_slice %arg8[%dma_start3A_298] : memref<6400xi32, #tpu.memory_space<vmem>> -> memref<128xi32, #tpu.memory_space<vmem>>
    %dma_start3A_300 = arith.constant 6144 : i32
    %dma_start3A_301 = tpu.memref_slice %arg6[%dma_start3A_300] : memref<6400xi32, #tpu.memory_space<vmem>> -> memref<128xi32, #tpu.memory_space<vmem>>
    %dma_start3A_302 = arith.constant 0 : i32
    %dma_start3A_303 = tpu.memref_slice %arg5[%dma_start3A_302] : memref<50008xi32, #tpu.memory_space<vmem_shared>> -> memref<50008xi32, #tpu.memory_space<vmem_shared>>
    tpu.enqueue_indirect_dma source(%dma_start3A_303 : memref<50008xi32, #tpu.memory_space<vmem_shared>>) target(%dma_start3A_299 : memref<128xi32, #tpu.memory_space<vmem>>) offsets(%dma_start3A_301 : memref<128xi32, #tpu.memory_space<vmem>>) semaphore(%arg13 : memref<!tpu.dma_semaphore, #tpu.memory_space<semaphore_mem>>)
    %dma_start3A_304 = arith.constant 6272 : i32
    %dma_start3A_305 = tpu.memref_slice %arg8[%dma_start3A_304] : memref<6400xi32, #tpu.memory_space<vmem>> -> memref<128xi32, #tpu.memory_space<vmem>>
    %dma_start3A_306 = arith.constant 6272 : i32
    %dma_start3A_307 = tpu.memref_slice %arg6[%dma_start3A_306] : memref<6400xi32, #tpu.memory_space<vmem>> -> memref<128xi32, #tpu.memory_space<vmem>>
    %dma_start3A_308 = arith.constant 0 : i32
    %dma_start3A_309 = tpu.memref_slice %arg5[%dma_start3A_308] : memref<50008xi32, #tpu.memory_space<vmem_shared>> -> memref<50008xi32, #tpu.memory_space<vmem_shared>>
    tpu.enqueue_indirect_dma source(%dma_start3A_309 : memref<50008xi32, #tpu.memory_space<vmem_shared>>) target(%dma_start3A_305 : memref<128xi32, #tpu.memory_space<vmem>>) offsets(%dma_start3A_307 : memref<128xi32, #tpu.memory_space<vmem>>) semaphore(%arg13 : memref<!tpu.dma_semaphore, #tpu.memory_space<semaphore_mem>>)
    %broadcast_in_dim3A = arith.constant 50000 : i32
    %broadcast_in_dim3A_310 = vector.broadcast %broadcast_in_dim3A : i32 to vector<16xi32>
    %dma_start3A_311 = arith.constant 0 : i32
    %dma_start3A_312 = tpu.memref_slice %arg5[%dma_start3A_311] : memref<50008xi32, #tpu.memory_space<vmem_shared>> -> memref<50008xi32, #tpu.memory_space<vmem_shared>>
    tpu.enqueue_indirect_dma source(%dma_start3A_312 : memref<50008xi32, #tpu.memory_space<vmem_shared>>) target(%arg10 : memref<16xi32, #tpu.memory_space<vmem>>) offsets(%broadcast_in_dim3A_310 : vector<16xi32>) semaphore(%arg13 : memref<!tpu.dma_semaphore, #tpu.memory_space<semaphore_mem>>)
    %broadcast_in_dim3A_313 = arith.constant 50001 : i32
    %broadcast_in_dim3A_314 = vector.broadcast %broadcast_in_dim3A_313 : i32 to vector<16xi32>
    %dma_start3A_315 = arith.constant 0 : i32
    %dma_start3A_316 = tpu.memref_slice %arg5[%dma_start3A_315] : memref<50008xi32, #tpu.memory_space<vmem_shared>> -> memref<50008xi32, #tpu.memory_space<vmem_shared>>
    tpu.enqueue_indirect_dma source(%dma_start3A_316 : memref<50008xi32, #tpu.memory_space<vmem_shared>>) target(%arg11 : memref<16xi32, #tpu.memory_space<vmem>>) offsets(%broadcast_in_dim3A_314 : vector<16xi32>) semaphore(%arg13 : memref<!tpu.dma_semaphore, #tpu.memory_space<semaphore_mem>>)
    %dma_wait3A = arith.constant 0 : i32
    %dma_wait3A_317 = tpu.memref_slice %arg8[%dma_wait3A] : memref<6400xi32, #tpu.memory_space<vmem>> -> memref<128xi32, #tpu.memory_space<vmem>>
    %dma_wait3A_318 = arith.constant 0 : i32
    %dma_wait3A_319 = tpu.memref_slice %arg6[%dma_wait3A_318] : memref<6400xi32, #tpu.memory_space<vmem>> -> memref<128xi32, #tpu.memory_space<vmem>>
    %dma_wait3A_320 = arith.constant 0 : i32
    %dma_wait3A_321 = tpu.memref_slice %arg5[%dma_wait3A_320] : memref<50008xi32, #tpu.memory_space<vmem_shared>> -> memref<50008xi32, #tpu.memory_space<vmem_shared>>
    tpu.wait_indirect_dma semaphore(%arg13 : memref<!tpu.dma_semaphore, #tpu.memory_space<semaphore_mem>>) src(%dma_wait3A_321 : memref<50008xi32, #tpu.memory_space<vmem_shared>>) dst(%dma_wait3A_317 : memref<128xi32, #tpu.memory_space<vmem>>)
    %dma_wait3A_322 = arith.constant 128 : i32
    %dma_wait3A_323 = tpu.memref_slice %arg8[%dma_wait3A_322] : memref<6400xi32, #tpu.memory_space<vmem>> -> memref<128xi32, #tpu.memory_space<vmem>>
    %dma_wait3A_324 = arith.constant 128 : i32
    %dma_wait3A_325 = tpu.memref_slice %arg6[%dma_wait3A_324] : memref<6400xi32, #tpu.memory_space<vmem>> -> memref<128xi32, #tpu.memory_space<vmem>>
    %dma_wait3A_326 = arith.constant 0 : i32
    %dma_wait3A_327 = tpu.memref_slice %arg5[%dma_wait3A_326] : memref<50008xi32, #tpu.memory_space<vmem_shared>> -> memref<50008xi32, #tpu.memory_space<vmem_shared>>
    tpu.wait_indirect_dma semaphore(%arg13 : memref<!tpu.dma_semaphore, #tpu.memory_space<semaphore_mem>>) src(%dma_wait3A_327 : memref<50008xi32, #tpu.memory_space<vmem_shared>>) dst(%dma_wait3A_323 : memref<128xi32, #tpu.memory_space<vmem>>)
    %dma_wait3A_328 = arith.constant 256 : i32
    %dma_wait3A_329 = tpu.memref_slice %arg8[%dma_wait3A_328] : memref<6400xi32, #tpu.memory_space<vmem>> -> memref<128xi32, #tpu.memory_space<vmem>>
    %dma_wait3A_330 = arith.constant 256 : i32
    %dma_wait3A_331 = tpu.memref_slice %arg6[%dma_wait3A_330] : memref<6400xi32, #tpu.memory_space<vmem>> -> memref<128xi32, #tpu.memory_space<vmem>>
    %dma_wait3A_332 = arith.constant 0 : i32
    %dma_wait3A_333 = tpu.memref_slice %arg5[%dma_wait3A_332] : memref<50008xi32, #tpu.memory_space<vmem_shared>> -> memref<50008xi32, #tpu.memory_space<vmem_shared>>
    tpu.wait_indirect_dma semaphore(%arg13 : memref<!tpu.dma_semaphore, #tpu.memory_space<semaphore_mem>>) src(%dma_wait3A_333 : memref<50008xi32, #tpu.memory_space<vmem_shared>>) dst(%dma_wait3A_329 : memref<128xi32, #tpu.memory_space<vmem>>)
    %dma_wait3A_334 = arith.constant 384 : i32
    %dma_wait3A_335 = tpu.memref_slice %arg8[%dma_wait3A_334] : memref<6400xi32, #tpu.memory_space<vmem>> -> memref<128xi32, #tpu.memory_space<vmem>>
    %dma_wait3A_336 = arith.constant 384 : i32
    %dma_wait3A_337 = tpu.memref_slice %arg6[%dma_wait3A_336] : memref<6400xi32, #tpu.memory_space<vmem>> -> memref<128xi32, #tpu.memory_space<vmem>>
    %dma_wait3A_338 = arith.constant 0 : i32
    %dma_wait3A_339 = tpu.memref_slice %arg5[%dma_wait3A_338] : memref<50008xi32, #tpu.memory_space<vmem_shared>> -> memref<50008xi32, #tpu.memory_space<vmem_shared>>
    tpu.wait_indirect_dma semaphore(%arg13 : memref<!tpu.dma_semaphore, #tpu.memory_space<semaphore_mem>>) src(%dma_wait3A_339 : memref<50008xi32, #tpu.memory_space<vmem_shared>>) dst(%dma_wait3A_335 : memref<128xi32, #tpu.memory_space<vmem>>)
    %dma_wait3A_340 = arith.constant 512 : i32
    %dma_wait3A_341 = tpu.memref_slice %arg8[%dma_wait3A_340] : memref<6400xi32, #tpu.memory_space<vmem>> -> memref<128xi32, #tpu.memory_space<vmem>>
    %dma_wait3A_342 = arith.constant 512 : i32
    %dma_wait3A_343 = tpu.memref_slice %arg6[%dma_wait3A_342] : memref<6400xi32, #tpu.memory_space<vmem>> -> memref<128xi32, #tpu.memory_space<vmem>>
    %dma_wait3A_344 = arith.constant 0 : i32
    %dma_wait3A_345 = tpu.memref_slice %arg5[%dma_wait3A_344] : memref<50008xi32, #tpu.memory_space<vmem_shared>> -> memref<50008xi32, #tpu.memory_space<vmem_shared>>
    tpu.wait_indirect_dma semaphore(%arg13 : memref<!tpu.dma_semaphore, #tpu.memory_space<semaphore_mem>>) src(%dma_wait3A_345 : memref<50008xi32, #tpu.memory_space<vmem_shared>>) dst(%dma_wait3A_341 : memref<128xi32, #tpu.memory_space<vmem>>)
    %dma_wait3A_346 = arith.constant 640 : i32
    %dma_wait3A_347 = tpu.memref_slice %arg8[%dma_wait3A_346] : memref<6400xi32, #tpu.memory_space<vmem>> -> memref<128xi32, #tpu.memory_space<vmem>>
    %dma_wait3A_348 = arith.constant 640 : i32
    %dma_wait3A_349 = tpu.memref_slice %arg6[%dma_wait3A_348] : memref<6400xi32, #tpu.memory_space<vmem>> -> memref<128xi32, #tpu.memory_space<vmem>>
    %dma_wait3A_350 = arith.constant 0 : i32
    %dma_wait3A_351 = tpu.memref_slice %arg5[%dma_wait3A_350] : memref<50008xi32, #tpu.memory_space<vmem_shared>> -> memref<50008xi32, #tpu.memory_space<vmem_shared>>
    tpu.wait_indirect_dma semaphore(%arg13 : memref<!tpu.dma_semaphore, #tpu.memory_space<semaphore_mem>>) src(%dma_wait3A_351 : memref<50008xi32, #tpu.memory_space<vmem_shared>>) dst(%dma_wait3A_347 : memref<128xi32, #tpu.memory_space<vmem>>)
    %dma_wait3A_352 = arith.constant 768 : i32
    %dma_wait3A_353 = tpu.memref_slice %arg8[%dma_wait3A_352] : memref<6400xi32, #tpu.memory_space<vmem>> -> memref<128xi32, #tpu.memory_space<vmem>>
    %dma_wait3A_354 = arith.constant 768 : i32
    %dma_wait3A_355 = tpu.memref_slice %arg6[%dma_wait3A_354] : memref<6400xi32, #tpu.memory_space<vmem>> -> memref<128xi32, #tpu.memory_space<vmem>>
    %dma_wait3A_356 = arith.constant 0 : i32
    %dma_wait3A_357 = tpu.memref_slice %arg5[%dma_wait3A_356] : memref<50008xi32, #tpu.memory_space<vmem_shared>> -> memref<50008xi32, #tpu.memory_space<vmem_shared>>
    tpu.wait_indirect_dma semaphore(%arg13 : memref<!tpu.dma_semaphore, #tpu.memory_space<semaphore_mem>>) src(%dma_wait3A_357 : memref<50008xi32, #tpu.memory_space<vmem_shared>>) dst(%dma_wait3A_353 : memref<128xi32, #tpu.memory_space<vmem>>)
    %dma_wait3A_358 = arith.constant 896 : i32
    %dma_wait3A_359 = tpu.memref_slice %arg8[%dma_wait3A_358] : memref<6400xi32, #tpu.memory_space<vmem>> -> memref<128xi32, #tpu.memory_space<vmem>>
    %dma_wait3A_360 = arith.constant 896 : i32
    %dma_wait3A_361 = tpu.memref_slice %arg6[%dma_wait3A_360] : memref<6400xi32, #tpu.memory_space<vmem>> -> memref<128xi32, #tpu.memory_space<vmem>>
    %dma_wait3A_362 = arith.constant 0 : i32
    %dma_wait3A_363 = tpu.memref_slice %arg5[%dma_wait3A_362] : memref<50008xi32, #tpu.memory_space<vmem_shared>> -> memref<50008xi32, #tpu.memory_space<vmem_shared>>
    tpu.wait_indirect_dma semaphore(%arg13 : memref<!tpu.dma_semaphore, #tpu.memory_space<semaphore_mem>>) src(%dma_wait3A_363 : memref<50008xi32, #tpu.memory_space<vmem_shared>>) dst(%dma_wait3A_359 : memref<128xi32, #tpu.memory_space<vmem>>)
    %dma_wait3A_364 = arith.constant 1024 : i32
    %dma_wait3A_365 = tpu.memref_slice %arg8[%dma_wait3A_364] : memref<6400xi32, #tpu.memory_space<vmem>> -> memref<128xi32, #tpu.memory_space<vmem>>
    %dma_wait3A_366 = arith.constant 1024 : i32
    %dma_wait3A_367 = tpu.memref_slice %arg6[%dma_wait3A_366] : memref<6400xi32, #tpu.memory_space<vmem>> -> memref<128xi32, #tpu.memory_space<vmem>>
    %dma_wait3A_368 = arith.constant 0 : i32
    %dma_wait3A_369 = tpu.memref_slice %arg5[%dma_wait3A_368] : memref<50008xi32, #tpu.memory_space<vmem_shared>> -> memref<50008xi32, #tpu.memory_space<vmem_shared>>
    tpu.wait_indirect_dma semaphore(%arg13 : memref<!tpu.dma_semaphore, #tpu.memory_space<semaphore_mem>>) src(%dma_wait3A_369 : memref<50008xi32, #tpu.memory_space<vmem_shared>>) dst(%dma_wait3A_365 : memref<128xi32, #tpu.memory_space<vmem>>)
    %dma_wait3A_370 = arith.constant 1152 : i32
    %dma_wait3A_371 = tpu.memref_slice %arg8[%dma_wait3A_370] : memref<6400xi32, #tpu.memory_space<vmem>> -> memref<128xi32, #tpu.memory_space<vmem>>
    %dma_wait3A_372 = arith.constant 1152 : i32
    %dma_wait3A_373 = tpu.memref_slice %arg6[%dma_wait3A_372] : memref<6400xi32, #tpu.memory_space<vmem>> -> memref<128xi32, #tpu.memory_space<vmem>>
    %dma_wait3A_374 = arith.constant 0 : i32
    %dma_wait3A_375 = tpu.memref_slice %arg5[%dma_wait3A_374] : memref<50008xi32, #tpu.memory_space<vmem_shared>> -> memref<50008xi32, #tpu.memory_space<vmem_shared>>
    tpu.wait_indirect_dma semaphore(%arg13 : memref<!tpu.dma_semaphore, #tpu.memory_space<semaphore_mem>>) src(%dma_wait3A_375 : memref<50008xi32, #tpu.memory_space<vmem_shared>>) dst(%dma_wait3A_371 : memref<128xi32, #tpu.memory_space<vmem>>)
    %dma_wait3A_376 = arith.constant 1280 : i32
    %dma_wait3A_377 = tpu.memref_slice %arg8[%dma_wait3A_376] : memref<6400xi32, #tpu.memory_space<vmem>> -> memref<128xi32, #tpu.memory_space<vmem>>
    %dma_wait3A_378 = arith.constant 1280 : i32
    %dma_wait3A_379 = tpu.memref_slice %arg6[%dma_wait3A_378] : memref<6400xi32, #tpu.memory_space<vmem>> -> memref<128xi32, #tpu.memory_space<vmem>>
    %dma_wait3A_380 = arith.constant 0 : i32
    %dma_wait3A_381 = tpu.memref_slice %arg5[%dma_wait3A_380] : memref<50008xi32, #tpu.memory_space<vmem_shared>> -> memref<50008xi32, #tpu.memory_space<vmem_shared>>
    tpu.wait_indirect_dma semaphore(%arg13 : memref<!tpu.dma_semaphore, #tpu.memory_space<semaphore_mem>>) src(%dma_wait3A_381 : memref<50008xi32, #tpu.memory_space<vmem_shared>>) dst(%dma_wait3A_377 : memref<128xi32, #tpu.memory_space<vmem>>)
    %dma_wait3A_382 = arith.constant 1408 : i32
    %dma_wait3A_383 = tpu.memref_slice %arg8[%dma_wait3A_382] : memref<6400xi32, #tpu.memory_space<vmem>> -> memref<128xi32, #tpu.memory_space<vmem>>
    %dma_wait3A_384 = arith.constant 1408 : i32
    %dma_wait3A_385 = tpu.memref_slice %arg6[%dma_wait3A_384] : memref<6400xi32, #tpu.memory_space<vmem>> -> memref<128xi32, #tpu.memory_space<vmem>>
    %dma_wait3A_386 = arith.constant 0 : i32
    %dma_wait3A_387 = tpu.memref_slice %arg5[%dma_wait3A_386] : memref<50008xi32, #tpu.memory_space<vmem_shared>> -> memref<50008xi32, #tpu.memory_space<vmem_shared>>
    tpu.wait_indirect_dma semaphore(%arg13 : memref<!tpu.dma_semaphore, #tpu.memory_space<semaphore_mem>>) src(%dma_wait3A_387 : memref<50008xi32, #tpu.memory_space<vmem_shared>>) dst(%dma_wait3A_383 : memref<128xi32, #tpu.memory_space<vmem>>)
    %dma_wait3A_388 = arith.constant 1536 : i32
    %dma_wait3A_389 = tpu.memref_slice %arg8[%dma_wait3A_388] : memref<6400xi32, #tpu.memory_space<vmem>> -> memref<128xi32, #tpu.memory_space<vmem>>
    %dma_wait3A_390 = arith.constant 1536 : i32
    %dma_wait3A_391 = tpu.memref_slice %arg6[%dma_wait3A_390] : memref<6400xi32, #tpu.memory_space<vmem>> -> memref<128xi32, #tpu.memory_space<vmem>>
    %dma_wait3A_392 = arith.constant 0 : i32
    %dma_wait3A_393 = tpu.memref_slice %arg5[%dma_wait3A_392] : memref<50008xi32, #tpu.memory_space<vmem_shared>> -> memref<50008xi32, #tpu.memory_space<vmem_shared>>
    tpu.wait_indirect_dma semaphore(%arg13 : memref<!tpu.dma_semaphore, #tpu.memory_space<semaphore_mem>>) src(%dma_wait3A_393 : memref<50008xi32, #tpu.memory_space<vmem_shared>>) dst(%dma_wait3A_389 : memref<128xi32, #tpu.memory_space<vmem>>)
    %dma_wait3A_394 = arith.constant 1664 : i32
    %dma_wait3A_395 = tpu.memref_slice %arg8[%dma_wait3A_394] : memref<6400xi32, #tpu.memory_space<vmem>> -> memref<128xi32, #tpu.memory_space<vmem>>
    %dma_wait3A_396 = arith.constant 1664 : i32
    %dma_wait3A_397 = tpu.memref_slice %arg6[%dma_wait3A_396] : memref<6400xi32, #tpu.memory_space<vmem>> -> memref<128xi32, #tpu.memory_space<vmem>>
    %dma_wait3A_398 = arith.constant 0 : i32
    %dma_wait3A_399 = tpu.memref_slice %arg5[%dma_wait3A_398] : memref<50008xi32, #tpu.memory_space<vmem_shared>> -> memref<50008xi32, #tpu.memory_space<vmem_shared>>
    tpu.wait_indirect_dma semaphore(%arg13 : memref<!tpu.dma_semaphore, #tpu.memory_space<semaphore_mem>>) src(%dma_wait3A_399 : memref<50008xi32, #tpu.memory_space<vmem_shared>>) dst(%dma_wait3A_395 : memref<128xi32, #tpu.memory_space<vmem>>)
    %dma_wait3A_400 = arith.constant 1792 : i32
    %dma_wait3A_401 = tpu.memref_slice %arg8[%dma_wait3A_400] : memref<6400xi32, #tpu.memory_space<vmem>> -> memref<128xi32, #tpu.memory_space<vmem>>
    %dma_wait3A_402 = arith.constant 1792 : i32
    %dma_wait3A_403 = tpu.memref_slice %arg6[%dma_wait3A_402] : memref<6400xi32, #tpu.memory_space<vmem>> -> memref<128xi32, #tpu.memory_space<vmem>>
    %dma_wait3A_404 = arith.constant 0 : i32
    %dma_wait3A_405 = tpu.memref_slice %arg5[%dma_wait3A_404] : memref<50008xi32, #tpu.memory_space<vmem_shared>> -> memref<50008xi32, #tpu.memory_space<vmem_shared>>
    tpu.wait_indirect_dma semaphore(%arg13 : memref<!tpu.dma_semaphore, #tpu.memory_space<semaphore_mem>>) src(%dma_wait3A_405 : memref<50008xi32, #tpu.memory_space<vmem_shared>>) dst(%dma_wait3A_401 : memref<128xi32, #tpu.memory_space<vmem>>)
    %dma_wait3A_406 = arith.constant 1920 : i32
    %dma_wait3A_407 = tpu.memref_slice %arg8[%dma_wait3A_406] : memref<6400xi32, #tpu.memory_space<vmem>> -> memref<128xi32, #tpu.memory_space<vmem>>
    %dma_wait3A_408 = arith.constant 1920 : i32
    %dma_wait3A_409 = tpu.memref_slice %arg6[%dma_wait3A_408] : memref<6400xi32, #tpu.memory_space<vmem>> -> memref<128xi32, #tpu.memory_space<vmem>>
    %dma_wait3A_410 = arith.constant 0 : i32
    %dma_wait3A_411 = tpu.memref_slice %arg5[%dma_wait3A_410] : memref<50008xi32, #tpu.memory_space<vmem_shared>> -> memref<50008xi32, #tpu.memory_space<vmem_shared>>
    tpu.wait_indirect_dma semaphore(%arg13 : memref<!tpu.dma_semaphore, #tpu.memory_space<semaphore_mem>>) src(%dma_wait3A_411 : memref<50008xi32, #tpu.memory_space<vmem_shared>>) dst(%dma_wait3A_407 : memref<128xi32, #tpu.memory_space<vmem>>)
    %dma_wait3A_412 = arith.constant 2048 : i32
    %dma_wait3A_413 = tpu.memref_slice %arg8[%dma_wait3A_412] : memref<6400xi32, #tpu.memory_space<vmem>> -> memref<128xi32, #tpu.memory_space<vmem>>
    %dma_wait3A_414 = arith.constant 2048 : i32
    %dma_wait3A_415 = tpu.memref_slice %arg6[%dma_wait3A_414] : memref<6400xi32, #tpu.memory_space<vmem>> -> memref<128xi32, #tpu.memory_space<vmem>>
    %dma_wait3A_416 = arith.constant 0 : i32
    %dma_wait3A_417 = tpu.memref_slice %arg5[%dma_wait3A_416] : memref<50008xi32, #tpu.memory_space<vmem_shared>> -> memref<50008xi32, #tpu.memory_space<vmem_shared>>
    tpu.wait_indirect_dma semaphore(%arg13 : memref<!tpu.dma_semaphore, #tpu.memory_space<semaphore_mem>>) src(%dma_wait3A_417 : memref<50008xi32, #tpu.memory_space<vmem_shared>>) dst(%dma_wait3A_413 : memref<128xi32, #tpu.memory_space<vmem>>)
    %dma_wait3A_418 = arith.constant 2176 : i32
    %dma_wait3A_419 = tpu.memref_slice %arg8[%dma_wait3A_418] : memref<6400xi32, #tpu.memory_space<vmem>> -> memref<128xi32, #tpu.memory_space<vmem>>
    %dma_wait3A_420 = arith.constant 2176 : i32
    %dma_wait3A_421 = tpu.memref_slice %arg6[%dma_wait3A_420] : memref<6400xi32, #tpu.memory_space<vmem>> -> memref<128xi32, #tpu.memory_space<vmem>>
    %dma_wait3A_422 = arith.constant 0 : i32
    %dma_wait3A_423 = tpu.memref_slice %arg5[%dma_wait3A_422] : memref<50008xi32, #tpu.memory_space<vmem_shared>> -> memref<50008xi32, #tpu.memory_space<vmem_shared>>
    tpu.wait_indirect_dma semaphore(%arg13 : memref<!tpu.dma_semaphore, #tpu.memory_space<semaphore_mem>>) src(%dma_wait3A_423 : memref<50008xi32, #tpu.memory_space<vmem_shared>>) dst(%dma_wait3A_419 : memref<128xi32, #tpu.memory_space<vmem>>)
    %dma_wait3A_424 = arith.constant 2304 : i32
    %dma_wait3A_425 = tpu.memref_slice %arg8[%dma_wait3A_424] : memref<6400xi32, #tpu.memory_space<vmem>> -> memref<128xi32, #tpu.memory_space<vmem>>
    %dma_wait3A_426 = arith.constant 2304 : i32
    %dma_wait3A_427 = tpu.memref_slice %arg6[%dma_wait3A_426] : memref<6400xi32, #tpu.memory_space<vmem>> -> memref<128xi32, #tpu.memory_space<vmem>>
    %dma_wait3A_428 = arith.constant 0 : i32
    %dma_wait3A_429 = tpu.memref_slice %arg5[%dma_wait3A_428] : memref<50008xi32, #tpu.memory_space<vmem_shared>> -> memref<50008xi32, #tpu.memory_space<vmem_shared>>
    tpu.wait_indirect_dma semaphore(%arg13 : memref<!tpu.dma_semaphore, #tpu.memory_space<semaphore_mem>>) src(%dma_wait3A_429 : memref<50008xi32, #tpu.memory_space<vmem_shared>>) dst(%dma_wait3A_425 : memref<128xi32, #tpu.memory_space<vmem>>)
    %dma_wait3A_430 = arith.constant 2432 : i32
    %dma_wait3A_431 = tpu.memref_slice %arg8[%dma_wait3A_430] : memref<6400xi32, #tpu.memory_space<vmem>> -> memref<128xi32, #tpu.memory_space<vmem>>
    %dma_wait3A_432 = arith.constant 2432 : i32
    %dma_wait3A_433 = tpu.memref_slice %arg6[%dma_wait3A_432] : memref<6400xi32, #tpu.memory_space<vmem>> -> memref<128xi32, #tpu.memory_space<vmem>>
    %dma_wait3A_434 = arith.constant 0 : i32
    %dma_wait3A_435 = tpu.memref_slice %arg5[%dma_wait3A_434] : memref<50008xi32, #tpu.memory_space<vmem_shared>> -> memref<50008xi32, #tpu.memory_space<vmem_shared>>
    tpu.wait_indirect_dma semaphore(%arg13 : memref<!tpu.dma_semaphore, #tpu.memory_space<semaphore_mem>>) src(%dma_wait3A_435 : memref<50008xi32, #tpu.memory_space<vmem_shared>>) dst(%dma_wait3A_431 : memref<128xi32, #tpu.memory_space<vmem>>)
    %dma_wait3A_436 = arith.constant 2560 : i32
    %dma_wait3A_437 = tpu.memref_slice %arg8[%dma_wait3A_436] : memref<6400xi32, #tpu.memory_space<vmem>> -> memref<128xi32, #tpu.memory_space<vmem>>
    %dma_wait3A_438 = arith.constant 2560 : i32
    %dma_wait3A_439 = tpu.memref_slice %arg6[%dma_wait3A_438] : memref<6400xi32, #tpu.memory_space<vmem>> -> memref<128xi32, #tpu.memory_space<vmem>>
    %dma_wait3A_440 = arith.constant 0 : i32
    %dma_wait3A_441 = tpu.memref_slice %arg5[%dma_wait3A_440] : memref<50008xi32, #tpu.memory_space<vmem_shared>> -> memref<50008xi32, #tpu.memory_space<vmem_shared>>
    tpu.wait_indirect_dma semaphore(%arg13 : memref<!tpu.dma_semaphore, #tpu.memory_space<semaphore_mem>>) src(%dma_wait3A_441 : memref<50008xi32, #tpu.memory_space<vmem_shared>>) dst(%dma_wait3A_437 : memref<128xi32, #tpu.memory_space<vmem>>)
    %dma_wait3A_442 = arith.constant 2688 : i32
    %dma_wait3A_443 = tpu.memref_slice %arg8[%dma_wait3A_442] : memref<6400xi32, #tpu.memory_space<vmem>> -> memref<128xi32, #tpu.memory_space<vmem>>
    %dma_wait3A_444 = arith.constant 2688 : i32
    %dma_wait3A_445 = tpu.memref_slice %arg6[%dma_wait3A_444] : memref<6400xi32, #tpu.memory_space<vmem>> -> memref<128xi32, #tpu.memory_space<vmem>>
    %dma_wait3A_446 = arith.constant 0 : i32
    %dma_wait3A_447 = tpu.memref_slice %arg5[%dma_wait3A_446] : memref<50008xi32, #tpu.memory_space<vmem_shared>> -> memref<50008xi32, #tpu.memory_space<vmem_shared>>
    tpu.wait_indirect_dma semaphore(%arg13 : memref<!tpu.dma_semaphore, #tpu.memory_space<semaphore_mem>>) src(%dma_wait3A_447 : memref<50008xi32, #tpu.memory_space<vmem_shared>>) dst(%dma_wait3A_443 : memref<128xi32, #tpu.memory_space<vmem>>)
    %dma_wait3A_448 = arith.constant 2816 : i32
    %dma_wait3A_449 = tpu.memref_slice %arg8[%dma_wait3A_448] : memref<6400xi32, #tpu.memory_space<vmem>> -> memref<128xi32, #tpu.memory_space<vmem>>
    %dma_wait3A_450 = arith.constant 2816 : i32
    %dma_wait3A_451 = tpu.memref_slice %arg6[%dma_wait3A_450] : memref<6400xi32, #tpu.memory_space<vmem>> -> memref<128xi32, #tpu.memory_space<vmem>>
    %dma_wait3A_452 = arith.constant 0 : i32
    %dma_wait3A_453 = tpu.memref_slice %arg5[%dma_wait3A_452] : memref<50008xi32, #tpu.memory_space<vmem_shared>> -> memref<50008xi32, #tpu.memory_space<vmem_shared>>
    tpu.wait_indirect_dma semaphore(%arg13 : memref<!tpu.dma_semaphore, #tpu.memory_space<semaphore_mem>>) src(%dma_wait3A_453 : memref<50008xi32, #tpu.memory_space<vmem_shared>>) dst(%dma_wait3A_449 : memref<128xi32, #tpu.memory_space<vmem>>)
    %dma_wait3A_454 = arith.constant 2944 : i32
    %dma_wait3A_455 = tpu.memref_slice %arg8[%dma_wait3A_454] : memref<6400xi32, #tpu.memory_space<vmem>> -> memref<128xi32, #tpu.memory_space<vmem>>
    %dma_wait3A_456 = arith.constant 2944 : i32
    %dma_wait3A_457 = tpu.memref_slice %arg6[%dma_wait3A_456] : memref<6400xi32, #tpu.memory_space<vmem>> -> memref<128xi32, #tpu.memory_space<vmem>>
    %dma_wait3A_458 = arith.constant 0 : i32
    %dma_wait3A_459 = tpu.memref_slice %arg5[%dma_wait3A_458] : memref<50008xi32, #tpu.memory_space<vmem_shared>> -> memref<50008xi32, #tpu.memory_space<vmem_shared>>
    tpu.wait_indirect_dma semaphore(%arg13 : memref<!tpu.dma_semaphore, #tpu.memory_space<semaphore_mem>>) src(%dma_wait3A_459 : memref<50008xi32, #tpu.memory_space<vmem_shared>>) dst(%dma_wait3A_455 : memref<128xi32, #tpu.memory_space<vmem>>)
    %dma_wait3A_460 = arith.constant 3072 : i32
    %dma_wait3A_461 = tpu.memref_slice %arg8[%dma_wait3A_460] : memref<6400xi32, #tpu.memory_space<vmem>> -> memref<128xi32, #tpu.memory_space<vmem>>
    %dma_wait3A_462 = arith.constant 3072 : i32
    %dma_wait3A_463 = tpu.memref_slice %arg6[%dma_wait3A_462] : memref<6400xi32, #tpu.memory_space<vmem>> -> memref<128xi32, #tpu.memory_space<vmem>>
    %dma_wait3A_464 = arith.constant 0 : i32
    %dma_wait3A_465 = tpu.memref_slice %arg5[%dma_wait3A_464] : memref<50008xi32, #tpu.memory_space<vmem_shared>> -> memref<50008xi32, #tpu.memory_space<vmem_shared>>
    tpu.wait_indirect_dma semaphore(%arg13 : memref<!tpu.dma_semaphore, #tpu.memory_space<semaphore_mem>>) src(%dma_wait3A_465 : memref<50008xi32, #tpu.memory_space<vmem_shared>>) dst(%dma_wait3A_461 : memref<128xi32, #tpu.memory_space<vmem>>)
    %dma_wait3A_466 = arith.constant 3200 : i32
    %dma_wait3A_467 = tpu.memref_slice %arg8[%dma_wait3A_466] : memref<6400xi32, #tpu.memory_space<vmem>> -> memref<128xi32, #tpu.memory_space<vmem>>
    %dma_wait3A_468 = arith.constant 3200 : i32
    %dma_wait3A_469 = tpu.memref_slice %arg6[%dma_wait3A_468] : memref<6400xi32, #tpu.memory_space<vmem>> -> memref<128xi32, #tpu.memory_space<vmem>>
    %dma_wait3A_470 = arith.constant 0 : i32
    %dma_wait3A_471 = tpu.memref_slice %arg5[%dma_wait3A_470] : memref<50008xi32, #tpu.memory_space<vmem_shared>> -> memref<50008xi32, #tpu.memory_space<vmem_shared>>
    tpu.wait_indirect_dma semaphore(%arg13 : memref<!tpu.dma_semaphore, #tpu.memory_space<semaphore_mem>>) src(%dma_wait3A_471 : memref<50008xi32, #tpu.memory_space<vmem_shared>>) dst(%dma_wait3A_467 : memref<128xi32, #tpu.memory_space<vmem>>)
    %dma_wait3A_472 = arith.constant 3328 : i32
    %dma_wait3A_473 = tpu.memref_slice %arg8[%dma_wait3A_472] : memref<6400xi32, #tpu.memory_space<vmem>> -> memref<128xi32, #tpu.memory_space<vmem>>
    %dma_wait3A_474 = arith.constant 3328 : i32
    %dma_wait3A_475 = tpu.memref_slice %arg6[%dma_wait3A_474] : memref<6400xi32, #tpu.memory_space<vmem>> -> memref<128xi32, #tpu.memory_space<vmem>>
    %dma_wait3A_476 = arith.constant 0 : i32
    %dma_wait3A_477 = tpu.memref_slice %arg5[%dma_wait3A_476] : memref<50008xi32, #tpu.memory_space<vmem_shared>> -> memref<50008xi32, #tpu.memory_space<vmem_shared>>
    tpu.wait_indirect_dma semaphore(%arg13 : memref<!tpu.dma_semaphore, #tpu.memory_space<semaphore_mem>>) src(%dma_wait3A_477 : memref<50008xi32, #tpu.memory_space<vmem_shared>>) dst(%dma_wait3A_473 : memref<128xi32, #tpu.memory_space<vmem>>)
    %dma_wait3A_478 = arith.constant 3456 : i32
    %dma_wait3A_479 = tpu.memref_slice %arg8[%dma_wait3A_478] : memref<6400xi32, #tpu.memory_space<vmem>> -> memref<128xi32, #tpu.memory_space<vmem>>
    %dma_wait3A_480 = arith.constant 3456 : i32
    %dma_wait3A_481 = tpu.memref_slice %arg6[%dma_wait3A_480] : memref<6400xi32, #tpu.memory_space<vmem>> -> memref<128xi32, #tpu.memory_space<vmem>>
    %dma_wait3A_482 = arith.constant 0 : i32
    %dma_wait3A_483 = tpu.memref_slice %arg5[%dma_wait3A_482] : memref<50008xi32, #tpu.memory_space<vmem_shared>> -> memref<50008xi32, #tpu.memory_space<vmem_shared>>
    tpu.wait_indirect_dma semaphore(%arg13 : memref<!tpu.dma_semaphore, #tpu.memory_space<semaphore_mem>>) src(%dma_wait3A_483 : memref<50008xi32, #tpu.memory_space<vmem_shared>>) dst(%dma_wait3A_479 : memref<128xi32, #tpu.memory_space<vmem>>)
    %dma_wait3A_484 = arith.constant 3584 : i32
    %dma_wait3A_485 = tpu.memref_slice %arg8[%dma_wait3A_484] : memref<6400xi32, #tpu.memory_space<vmem>> -> memref<128xi32, #tpu.memory_space<vmem>>
    %dma_wait3A_486 = arith.constant 3584 : i32
    %dma_wait3A_487 = tpu.memref_slice %arg6[%dma_wait3A_486] : memref<6400xi32, #tpu.memory_space<vmem>> -> memref<128xi32, #tpu.memory_space<vmem>>
    %dma_wait3A_488 = arith.constant 0 : i32
    %dma_wait3A_489 = tpu.memref_slice %arg5[%dma_wait3A_488] : memref<50008xi32, #tpu.memory_space<vmem_shared>> -> memref<50008xi32, #tpu.memory_space<vmem_shared>>
    tpu.wait_indirect_dma semaphore(%arg13 : memref<!tpu.dma_semaphore, #tpu.memory_space<semaphore_mem>>) src(%dma_wait3A_489 : memref<50008xi32, #tpu.memory_space<vmem_shared>>) dst(%dma_wait3A_485 : memref<128xi32, #tpu.memory_space<vmem>>)
    %dma_wait3A_490 = arith.constant 3712 : i32
    %dma_wait3A_491 = tpu.memref_slice %arg8[%dma_wait3A_490] : memref<6400xi32, #tpu.memory_space<vmem>> -> memref<128xi32, #tpu.memory_space<vmem>>
    %dma_wait3A_492 = arith.constant 3712 : i32
    %dma_wait3A_493 = tpu.memref_slice %arg6[%dma_wait3A_492] : memref<6400xi32, #tpu.memory_space<vmem>> -> memref<128xi32, #tpu.memory_space<vmem>>
    %dma_wait3A_494 = arith.constant 0 : i32
    %dma_wait3A_495 = tpu.memref_slice %arg5[%dma_wait3A_494] : memref<50008xi32, #tpu.memory_space<vmem_shared>> -> memref<50008xi32, #tpu.memory_space<vmem_shared>>
    tpu.wait_indirect_dma semaphore(%arg13 : memref<!tpu.dma_semaphore, #tpu.memory_space<semaphore_mem>>) src(%dma_wait3A_495 : memref<50008xi32, #tpu.memory_space<vmem_shared>>) dst(%dma_wait3A_491 : memref<128xi32, #tpu.memory_space<vmem>>)
    %dma_wait3A_496 = arith.constant 3840 : i32
    %dma_wait3A_497 = tpu.memref_slice %arg8[%dma_wait3A_496] : memref<6400xi32, #tpu.memory_space<vmem>> -> memref<128xi32, #tpu.memory_space<vmem>>
    %dma_wait3A_498 = arith.constant 3840 : i32
    %dma_wait3A_499 = tpu.memref_slice %arg6[%dma_wait3A_498] : memref<6400xi32, #tpu.memory_space<vmem>> -> memref<128xi32, #tpu.memory_space<vmem>>
    %dma_wait3A_500 = arith.constant 0 : i32
    %dma_wait3A_501 = tpu.memref_slice %arg5[%dma_wait3A_500] : memref<50008xi32, #tpu.memory_space<vmem_shared>> -> memref<50008xi32, #tpu.memory_space<vmem_shared>>
    tpu.wait_indirect_dma semaphore(%arg13 : memref<!tpu.dma_semaphore, #tpu.memory_space<semaphore_mem>>) src(%dma_wait3A_501 : memref<50008xi32, #tpu.memory_space<vmem_shared>>) dst(%dma_wait3A_497 : memref<128xi32, #tpu.memory_space<vmem>>)
    %dma_wait3A_502 = arith.constant 3968 : i32
    %dma_wait3A_503 = tpu.memref_slice %arg8[%dma_wait3A_502] : memref<6400xi32, #tpu.memory_space<vmem>> -> memref<128xi32, #tpu.memory_space<vmem>>
    %dma_wait3A_504 = arith.constant 3968 : i32
    %dma_wait3A_505 = tpu.memref_slice %arg6[%dma_wait3A_504] : memref<6400xi32, #tpu.memory_space<vmem>> -> memref<128xi32, #tpu.memory_space<vmem>>
    %dma_wait3A_506 = arith.constant 0 : i32
    %dma_wait3A_507 = tpu.memref_slice %arg5[%dma_wait3A_506] : memref<50008xi32, #tpu.memory_space<vmem_shared>> -> memref<50008xi32, #tpu.memory_space<vmem_shared>>
    tpu.wait_indirect_dma semaphore(%arg13 : memref<!tpu.dma_semaphore, #tpu.memory_space<semaphore_mem>>) src(%dma_wait3A_507 : memref<50008xi32, #tpu.memory_space<vmem_shared>>) dst(%dma_wait3A_503 : memref<128xi32, #tpu.memory_space<vmem>>)
    %dma_wait3A_508 = arith.constant 4096 : i32
    %dma_wait3A_509 = tpu.memref_slice %arg8[%dma_wait3A_508] : memref<6400xi32, #tpu.memory_space<vmem>> -> memref<128xi32, #tpu.memory_space<vmem>>
    %dma_wait3A_510 = arith.constant 4096 : i32
    %dma_wait3A_511 = tpu.memref_slice %arg6[%dma_wait3A_510] : memref<6400xi32, #tpu.memory_space<vmem>> -> memref<128xi32, #tpu.memory_space<vmem>>
    %dma_wait3A_512 = arith.constant 0 : i32
    %dma_wait3A_513 = tpu.memref_slice %arg5[%dma_wait3A_512] : memref<50008xi32, #tpu.memory_space<vmem_shared>> -> memref<50008xi32, #tpu.memory_space<vmem_shared>>
    tpu.wait_indirect_dma semaphore(%arg13 : memref<!tpu.dma_semaphore, #tpu.memory_space<semaphore_mem>>) src(%dma_wait3A_513 : memref<50008xi32, #tpu.memory_space<vmem_shared>>) dst(%dma_wait3A_509 : memref<128xi32, #tpu.memory_space<vmem>>)
    %dma_wait3A_514 = arith.constant 4224 : i32
    %dma_wait3A_515 = tpu.memref_slice %arg8[%dma_wait3A_514] : memref<6400xi32, #tpu.memory_space<vmem>> -> memref<128xi32, #tpu.memory_space<vmem>>
    %dma_wait3A_516 = arith.constant 4224 : i32
    %dma_wait3A_517 = tpu.memref_slice %arg6[%dma_wait3A_516] : memref<6400xi32, #tpu.memory_space<vmem>> -> memref<128xi32, #tpu.memory_space<vmem>>
    %dma_wait3A_518 = arith.constant 0 : i32
    %dma_wait3A_519 = tpu.memref_slice %arg5[%dma_wait3A_518] : memref<50008xi32, #tpu.memory_space<vmem_shared>> -> memref<50008xi32, #tpu.memory_space<vmem_shared>>
    tpu.wait_indirect_dma semaphore(%arg13 : memref<!tpu.dma_semaphore, #tpu.memory_space<semaphore_mem>>) src(%dma_wait3A_519 : memref<50008xi32, #tpu.memory_space<vmem_shared>>) dst(%dma_wait3A_515 : memref<128xi32, #tpu.memory_space<vmem>>)
    %dma_wait3A_520 = arith.constant 4352 : i32
    %dma_wait3A_521 = tpu.memref_slice %arg8[%dma_wait3A_520] : memref<6400xi32, #tpu.memory_space<vmem>> -> memref<128xi32, #tpu.memory_space<vmem>>
    %dma_wait3A_522 = arith.constant 4352 : i32
    %dma_wait3A_523 = tpu.memref_slice %arg6[%dma_wait3A_522] : memref<6400xi32, #tpu.memory_space<vmem>> -> memref<128xi32, #tpu.memory_space<vmem>>
    %dma_wait3A_524 = arith.constant 0 : i32
    %dma_wait3A_525 = tpu.memref_slice %arg5[%dma_wait3A_524] : memref<50008xi32, #tpu.memory_space<vmem_shared>> -> memref<50008xi32, #tpu.memory_space<vmem_shared>>
    tpu.wait_indirect_dma semaphore(%arg13 : memref<!tpu.dma_semaphore, #tpu.memory_space<semaphore_mem>>) src(%dma_wait3A_525 : memref<50008xi32, #tpu.memory_space<vmem_shared>>) dst(%dma_wait3A_521 : memref<128xi32, #tpu.memory_space<vmem>>)
    %dma_wait3A_526 = arith.constant 4480 : i32
    %dma_wait3A_527 = tpu.memref_slice %arg8[%dma_wait3A_526] : memref<6400xi32, #tpu.memory_space<vmem>> -> memref<128xi32, #tpu.memory_space<vmem>>
    %dma_wait3A_528 = arith.constant 4480 : i32
    %dma_wait3A_529 = tpu.memref_slice %arg6[%dma_wait3A_528] : memref<6400xi32, #tpu.memory_space<vmem>> -> memref<128xi32, #tpu.memory_space<vmem>>
    %dma_wait3A_530 = arith.constant 0 : i32
    %dma_wait3A_531 = tpu.memref_slice %arg5[%dma_wait3A_530] : memref<50008xi32, #tpu.memory_space<vmem_shared>> -> memref<50008xi32, #tpu.memory_space<vmem_shared>>
    tpu.wait_indirect_dma semaphore(%arg13 : memref<!tpu.dma_semaphore, #tpu.memory_space<semaphore_mem>>) src(%dma_wait3A_531 : memref<50008xi32, #tpu.memory_space<vmem_shared>>) dst(%dma_wait3A_527 : memref<128xi32, #tpu.memory_space<vmem>>)
    %dma_wait3A_532 = arith.constant 4608 : i32
    %dma_wait3A_533 = tpu.memref_slice %arg8[%dma_wait3A_532] : memref<6400xi32, #tpu.memory_space<vmem>> -> memref<128xi32, #tpu.memory_space<vmem>>
    %dma_wait3A_534 = arith.constant 4608 : i32
    %dma_wait3A_535 = tpu.memref_slice %arg6[%dma_wait3A_534] : memref<6400xi32, #tpu.memory_space<vmem>> -> memref<128xi32, #tpu.memory_space<vmem>>
    %dma_wait3A_536 = arith.constant 0 : i32
    %dma_wait3A_537 = tpu.memref_slice %arg5[%dma_wait3A_536] : memref<50008xi32, #tpu.memory_space<vmem_shared>> -> memref<50008xi32, #tpu.memory_space<vmem_shared>>
    tpu.wait_indirect_dma semaphore(%arg13 : memref<!tpu.dma_semaphore, #tpu.memory_space<semaphore_mem>>) src(%dma_wait3A_537 : memref<50008xi32, #tpu.memory_space<vmem_shared>>) dst(%dma_wait3A_533 : memref<128xi32, #tpu.memory_space<vmem>>)
    %dma_wait3A_538 = arith.constant 4736 : i32
    %dma_wait3A_539 = tpu.memref_slice %arg8[%dma_wait3A_538] : memref<6400xi32, #tpu.memory_space<vmem>> -> memref<128xi32, #tpu.memory_space<vmem>>
    %dma_wait3A_540 = arith.constant 4736 : i32
    %dma_wait3A_541 = tpu.memref_slice %arg6[%dma_wait3A_540] : memref<6400xi32, #tpu.memory_space<vmem>> -> memref<128xi32, #tpu.memory_space<vmem>>
    %dma_wait3A_542 = arith.constant 0 : i32
    %dma_wait3A_543 = tpu.memref_slice %arg5[%dma_wait3A_542] : memref<50008xi32, #tpu.memory_space<vmem_shared>> -> memref<50008xi32, #tpu.memory_space<vmem_shared>>
    tpu.wait_indirect_dma semaphore(%arg13 : memref<!tpu.dma_semaphore, #tpu.memory_space<semaphore_mem>>) src(%dma_wait3A_543 : memref<50008xi32, #tpu.memory_space<vmem_shared>>) dst(%dma_wait3A_539 : memref<128xi32, #tpu.memory_space<vmem>>)
    %dma_wait3A_544 = arith.constant 4864 : i32
    %dma_wait3A_545 = tpu.memref_slice %arg8[%dma_wait3A_544] : memref<6400xi32, #tpu.memory_space<vmem>> -> memref<128xi32, #tpu.memory_space<vmem>>
    %dma_wait3A_546 = arith.constant 4864 : i32
    %dma_wait3A_547 = tpu.memref_slice %arg6[%dma_wait3A_546] : memref<6400xi32, #tpu.memory_space<vmem>> -> memref<128xi32, #tpu.memory_space<vmem>>
    %dma_wait3A_548 = arith.constant 0 : i32
    %dma_wait3A_549 = tpu.memref_slice %arg5[%dma_wait3A_548] : memref<50008xi32, #tpu.memory_space<vmem_shared>> -> memref<50008xi32, #tpu.memory_space<vmem_shared>>
    tpu.wait_indirect_dma semaphore(%arg13 : memref<!tpu.dma_semaphore, #tpu.memory_space<semaphore_mem>>) src(%dma_wait3A_549 : memref<50008xi32, #tpu.memory_space<vmem_shared>>) dst(%dma_wait3A_545 : memref<128xi32, #tpu.memory_space<vmem>>)
    %dma_wait3A_550 = arith.constant 4992 : i32
    %dma_wait3A_551 = tpu.memref_slice %arg8[%dma_wait3A_550] : memref<6400xi32, #tpu.memory_space<vmem>> -> memref<128xi32, #tpu.memory_space<vmem>>
    %dma_wait3A_552 = arith.constant 4992 : i32
    %dma_wait3A_553 = tpu.memref_slice %arg6[%dma_wait3A_552] : memref<6400xi32, #tpu.memory_space<vmem>> -> memref<128xi32, #tpu.memory_space<vmem>>
    %dma_wait3A_554 = arith.constant 0 : i32
    %dma_wait3A_555 = tpu.memref_slice %arg5[%dma_wait3A_554] : memref<50008xi32, #tpu.memory_space<vmem_shared>> -> memref<50008xi32, #tpu.memory_space<vmem_shared>>
    tpu.wait_indirect_dma semaphore(%arg13 : memref<!tpu.dma_semaphore, #tpu.memory_space<semaphore_mem>>) src(%dma_wait3A_555 : memref<50008xi32, #tpu.memory_space<vmem_shared>>) dst(%dma_wait3A_551 : memref<128xi32, #tpu.memory_space<vmem>>)
    %dma_wait3A_556 = arith.constant 5120 : i32
    %dma_wait3A_557 = tpu.memref_slice %arg8[%dma_wait3A_556] : memref<6400xi32, #tpu.memory_space<vmem>> -> memref<128xi32, #tpu.memory_space<vmem>>
    %dma_wait3A_558 = arith.constant 5120 : i32
    %dma_wait3A_559 = tpu.memref_slice %arg6[%dma_wait3A_558] : memref<6400xi32, #tpu.memory_space<vmem>> -> memref<128xi32, #tpu.memory_space<vmem>>
    %dma_wait3A_560 = arith.constant 0 : i32
    %dma_wait3A_561 = tpu.memref_slice %arg5[%dma_wait3A_560] : memref<50008xi32, #tpu.memory_space<vmem_shared>> -> memref<50008xi32, #tpu.memory_space<vmem_shared>>
    tpu.wait_indirect_dma semaphore(%arg13 : memref<!tpu.dma_semaphore, #tpu.memory_space<semaphore_mem>>) src(%dma_wait3A_561 : memref<50008xi32, #tpu.memory_space<vmem_shared>>) dst(%dma_wait3A_557 : memref<128xi32, #tpu.memory_space<vmem>>)
    %dma_wait3A_562 = arith.constant 5248 : i32
    %dma_wait3A_563 = tpu.memref_slice %arg8[%dma_wait3A_562] : memref<6400xi32, #tpu.memory_space<vmem>> -> memref<128xi32, #tpu.memory_space<vmem>>
    %dma_wait3A_564 = arith.constant 5248 : i32
    %dma_wait3A_565 = tpu.memref_slice %arg6[%dma_wait3A_564] : memref<6400xi32, #tpu.memory_space<vmem>> -> memref<128xi32, #tpu.memory_space<vmem>>
    %dma_wait3A_566 = arith.constant 0 : i32
    %dma_wait3A_567 = tpu.memref_slice %arg5[%dma_wait3A_566] : memref<50008xi32, #tpu.memory_space<vmem_shared>> -> memref<50008xi32, #tpu.memory_space<vmem_shared>>
    tpu.wait_indirect_dma semaphore(%arg13 : memref<!tpu.dma_semaphore, #tpu.memory_space<semaphore_mem>>) src(%dma_wait3A_567 : memref<50008xi32, #tpu.memory_space<vmem_shared>>) dst(%dma_wait3A_563 : memref<128xi32, #tpu.memory_space<vmem>>)
    %dma_wait3A_568 = arith.constant 5376 : i32
    %dma_wait3A_569 = tpu.memref_slice %arg8[%dma_wait3A_568] : memref<6400xi32, #tpu.memory_space<vmem>> -> memref<128xi32, #tpu.memory_space<vmem>>
    %dma_wait3A_570 = arith.constant 5376 : i32
    %dma_wait3A_571 = tpu.memref_slice %arg6[%dma_wait3A_570] : memref<6400xi32, #tpu.memory_space<vmem>> -> memref<128xi32, #tpu.memory_space<vmem>>
    %dma_wait3A_572 = arith.constant 0 : i32
    %dma_wait3A_573 = tpu.memref_slice %arg5[%dma_wait3A_572] : memref<50008xi32, #tpu.memory_space<vmem_shared>> -> memref<50008xi32, #tpu.memory_space<vmem_shared>>
    tpu.wait_indirect_dma semaphore(%arg13 : memref<!tpu.dma_semaphore, #tpu.memory_space<semaphore_mem>>) src(%dma_wait3A_573 : memref<50008xi32, #tpu.memory_space<vmem_shared>>) dst(%dma_wait3A_569 : memref<128xi32, #tpu.memory_space<vmem>>)
    %dma_wait3A_574 = arith.constant 5504 : i32
    %dma_wait3A_575 = tpu.memref_slice %arg8[%dma_wait3A_574] : memref<6400xi32, #tpu.memory_space<vmem>> -> memref<128xi32, #tpu.memory_space<vmem>>
    %dma_wait3A_576 = arith.constant 5504 : i32
    %dma_wait3A_577 = tpu.memref_slice %arg6[%dma_wait3A_576] : memref<6400xi32, #tpu.memory_space<vmem>> -> memref<128xi32, #tpu.memory_space<vmem>>
    %dma_wait3A_578 = arith.constant 0 : i32
    %dma_wait3A_579 = tpu.memref_slice %arg5[%dma_wait3A_578] : memref<50008xi32, #tpu.memory_space<vmem_shared>> -> memref<50008xi32, #tpu.memory_space<vmem_shared>>
    tpu.wait_indirect_dma semaphore(%arg13 : memref<!tpu.dma_semaphore, #tpu.memory_space<semaphore_mem>>) src(%dma_wait3A_579 : memref<50008xi32, #tpu.memory_space<vmem_shared>>) dst(%dma_wait3A_575 : memref<128xi32, #tpu.memory_space<vmem>>)
    %dma_wait3A_580 = arith.constant 5632 : i32
    %dma_wait3A_581 = tpu.memref_slice %arg8[%dma_wait3A_580] : memref<6400xi32, #tpu.memory_space<vmem>> -> memref<128xi32, #tpu.memory_space<vmem>>
    %dma_wait3A_582 = arith.constant 5632 : i32
    %dma_wait3A_583 = tpu.memref_slice %arg6[%dma_wait3A_582] : memref<6400xi32, #tpu.memory_space<vmem>> -> memref<128xi32, #tpu.memory_space<vmem>>
    %dma_wait3A_584 = arith.constant 0 : i32
    %dma_wait3A_585 = tpu.memref_slice %arg5[%dma_wait3A_584] : memref<50008xi32, #tpu.memory_space<vmem_shared>> -> memref<50008xi32, #tpu.memory_space<vmem_shared>>
    tpu.wait_indirect_dma semaphore(%arg13 : memref<!tpu.dma_semaphore, #tpu.memory_space<semaphore_mem>>) src(%dma_wait3A_585 : memref<50008xi32, #tpu.memory_space<vmem_shared>>) dst(%dma_wait3A_581 : memref<128xi32, #tpu.memory_space<vmem>>)
    %dma_wait3A_586 = arith.constant 5760 : i32
    %dma_wait3A_587 = tpu.memref_slice %arg8[%dma_wait3A_586] : memref<6400xi32, #tpu.memory_space<vmem>> -> memref<128xi32, #tpu.memory_space<vmem>>
    %dma_wait3A_588 = arith.constant 5760 : i32
    %dma_wait3A_589 = tpu.memref_slice %arg6[%dma_wait3A_588] : memref<6400xi32, #tpu.memory_space<vmem>> -> memref<128xi32, #tpu.memory_space<vmem>>
    %dma_wait3A_590 = arith.constant 0 : i32
    %dma_wait3A_591 = tpu.memref_slice %arg5[%dma_wait3A_590] : memref<50008xi32, #tpu.memory_space<vmem_shared>> -> memref<50008xi32, #tpu.memory_space<vmem_shared>>
    tpu.wait_indirect_dma semaphore(%arg13 : memref<!tpu.dma_semaphore, #tpu.memory_space<semaphore_mem>>) src(%dma_wait3A_591 : memref<50008xi32, #tpu.memory_space<vmem_shared>>) dst(%dma_wait3A_587 : memref<128xi32, #tpu.memory_space<vmem>>)
    %dma_wait3A_592 = arith.constant 5888 : i32
    %dma_wait3A_593 = tpu.memref_slice %arg8[%dma_wait3A_592] : memref<6400xi32, #tpu.memory_space<vmem>> -> memref<128xi32, #tpu.memory_space<vmem>>
    %dma_wait3A_594 = arith.constant 5888 : i32
    %dma_wait3A_595 = tpu.memref_slice %arg6[%dma_wait3A_594] : memref<6400xi32, #tpu.memory_space<vmem>> -> memref<128xi32, #tpu.memory_space<vmem>>
    %dma_wait3A_596 = arith.constant 0 : i32
    %dma_wait3A_597 = tpu.memref_slice %arg5[%dma_wait3A_596] : memref<50008xi32, #tpu.memory_space<vmem_shared>> -> memref<50008xi32, #tpu.memory_space<vmem_shared>>
    tpu.wait_indirect_dma semaphore(%arg13 : memref<!tpu.dma_semaphore, #tpu.memory_space<semaphore_mem>>) src(%dma_wait3A_597 : memref<50008xi32, #tpu.memory_space<vmem_shared>>) dst(%dma_wait3A_593 : memref<128xi32, #tpu.memory_space<vmem>>)
    %dma_wait3A_598 = arith.constant 6016 : i32
    %dma_wait3A_599 = tpu.memref_slice %arg8[%dma_wait3A_598] : memref<6400xi32, #tpu.memory_space<vmem>> -> memref<128xi32, #tpu.memory_space<vmem>>
    %dma_wait3A_600 = arith.constant 6016 : i32
    %dma_wait3A_601 = tpu.memref_slice %arg6[%dma_wait3A_600] : memref<6400xi32, #tpu.memory_space<vmem>> -> memref<128xi32, #tpu.memory_space<vmem>>
    %dma_wait3A_602 = arith.constant 0 : i32
    %dma_wait3A_603 = tpu.memref_slice %arg5[%dma_wait3A_602] : memref<50008xi32, #tpu.memory_space<vmem_shared>> -> memref<50008xi32, #tpu.memory_space<vmem_shared>>
    tpu.wait_indirect_dma semaphore(%arg13 : memref<!tpu.dma_semaphore, #tpu.memory_space<semaphore_mem>>) src(%dma_wait3A_603 : memref<50008xi32, #tpu.memory_space<vmem_shared>>) dst(%dma_wait3A_599 : memref<128xi32, #tpu.memory_space<vmem>>)
    %dma_wait3A_604 = arith.constant 6144 : i32
    %dma_wait3A_605 = tpu.memref_slice %arg8[%dma_wait3A_604] : memref<6400xi32, #tpu.memory_space<vmem>> -> memref<128xi32, #tpu.memory_space<vmem>>
    %dma_wait3A_606 = arith.constant 6144 : i32
    %dma_wait3A_607 = tpu.memref_slice %arg6[%dma_wait3A_606] : memref<6400xi32, #tpu.memory_space<vmem>> -> memref<128xi32, #tpu.memory_space<vmem>>
    %dma_wait3A_608 = arith.constant 0 : i32
    %dma_wait3A_609 = tpu.memref_slice %arg5[%dma_wait3A_608] : memref<50008xi32, #tpu.memory_space<vmem_shared>> -> memref<50008xi32, #tpu.memory_space<vmem_shared>>
    tpu.wait_indirect_dma semaphore(%arg13 : memref<!tpu.dma_semaphore, #tpu.memory_space<semaphore_mem>>) src(%dma_wait3A_609 : memref<50008xi32, #tpu.memory_space<vmem_shared>>) dst(%dma_wait3A_605 : memref<128xi32, #tpu.memory_space<vmem>>)
    %dma_wait3A_610 = arith.constant 6272 : i32
    %dma_wait3A_611 = tpu.memref_slice %arg8[%dma_wait3A_610] : memref<6400xi32, #tpu.memory_space<vmem>> -> memref<128xi32, #tpu.memory_space<vmem>>
    %dma_wait3A_612 = arith.constant 6272 : i32
    %dma_wait3A_613 = tpu.memref_slice %arg6[%dma_wait3A_612] : memref<6400xi32, #tpu.memory_space<vmem>> -> memref<128xi32, #tpu.memory_space<vmem>>
    %dma_wait3A_614 = arith.constant 0 : i32
    %dma_wait3A_615 = tpu.memref_slice %arg5[%dma_wait3A_614] : memref<50008xi32, #tpu.memory_space<vmem_shared>> -> memref<50008xi32, #tpu.memory_space<vmem_shared>>
    tpu.wait_indirect_dma semaphore(%arg13 : memref<!tpu.dma_semaphore, #tpu.memory_space<semaphore_mem>>) src(%dma_wait3A_615 : memref<50008xi32, #tpu.memory_space<vmem_shared>>) dst(%dma_wait3A_611 : memref<128xi32, #tpu.memory_space<vmem>>)
    %dma_wait3A_616 = arith.constant 0 : i32
    %dma_wait3A_617 = tpu.memref_slice %arg5[%dma_wait3A_616] : memref<50008xi32, #tpu.memory_space<vmem_shared>> -> memref<50008xi32, #tpu.memory_space<vmem_shared>>
    tpu.wait_indirect_dma semaphore(%arg13 : memref<!tpu.dma_semaphore, #tpu.memory_space<semaphore_mem>>) src(%dma_wait3A_617 : memref<50008xi32, #tpu.memory_space<vmem_shared>>) dst(%arg10 : memref<16xi32, #tpu.memory_space<vmem>>)
    %dma_wait3A_618 = arith.constant 0 : i32
    %dma_wait3A_619 = tpu.memref_slice %arg5[%dma_wait3A_618] : memref<50008xi32, #tpu.memory_space<vmem_shared>> -> memref<50008xi32, #tpu.memory_space<vmem_shared>>
    tpu.wait_indirect_dma semaphore(%arg13 : memref<!tpu.dma_semaphore, #tpu.memory_space<semaphore_mem>>) src(%dma_wait3A_619 : memref<50008xi32, #tpu.memory_space<vmem_shared>>) dst(%arg11 : memref<16xi32, #tpu.memory_space<vmem>>)
    %iota3A = tpu.iota {dimensions = array<i32: 0>} : vector<16xi32>
    %broadcast_in_dim3A_620 = arith.constant -65536 : i32
    %broadcast_in_dim3A_621 = vector.broadcast %broadcast_in_dim3A_620 : i32 to vector<16xi32>
    %get3A = arith.constant 0 : index
    %get3A_622 = tpu.vector_load %arg10[%get3A] {strides = array<i32>} : memref<16xi32, #tpu.memory_space<vmem>>, vector<16xi32>,
    %bitcast_convert_type3A = tpu.bitcast %get3A_622 : vector<16xi32> -> vector<16xf32>
    %get3A_623 = arith.constant 0 : index
    %get3A_624 = tpu.vector_load %arg11[%get3A_623] {strides = array<i32>} : memref<16xi32, #tpu.memory_space<vmem>>, vector<16xi32>,
    %bitcast_convert_type3A_625 = tpu.bitcast %get3A_624 : vector<16xi32> -> vector<16xf32>
    %add3A_626 = arith.constant 0 : i32
    %add3A_627 = vector.broadcast %add3A_626 : i32 to vector<16xi32>
    %add3A_628 = arith.addi %iota3A, %add3A_627 : vector<16xi32>
    %mul3A_629 = arith.constant 200 : i32
    %mul3A_630 = vector.broadcast %mul3A_629 : i32 to vector<16xi32>
    %mul3A_631 = arith.muli %add3A_628, %mul3A_630 : vector<16xi32>
    %add3A_632 = arith.constant 16 : i32
    %add3A_633 = vector.broadcast %add3A_632 : i32 to vector<16xi32>
    %add3A_634 = arith.addi %iota3A, %add3A_633 : vector<16xi32>
    %mul3A_635 = arith.constant 200 : i32
    %mul3A_636 = vector.broadcast %mul3A_635 : i32 to vector<16xi32>
    %mul3A_637 = arith.muli %add3A_634, %mul3A_636 : vector<16xi32>
    %add3A_638 = arith.constant 0 : i32
    %add3A_639 = vector.broadcast %add3A_638 : i32 to vector<16xi32>
    %add3A_640 = arith.addi %iota3A, %add3A_639 : vector<16xi32>
    %add3A_641 = arith.constant 16 : i32
    %add3A_642 = vector.broadcast %add3A_641 : i32 to vector<16xi32>
    %add3A_643 = arith.addi %iota3A, %add3A_642 : vector<16xi32>
    %broadcast_in_dim3A_644 = arith.constant 0.000000e+00 : f32
    %broadcast_in_dim3A_645 = vector.broadcast %broadcast_in_dim3A_644 : f32 to vector<16xf32>
    %scan3A = arith.constant 0 : i32
    %scan3A_646 = arith.constant 100 : i32
    %scan3A_647 = arith.addi %scan3A, %scan3A_646 : i32
    %scan3A_648 = arith.constant 1 : i32
    %scan3A_649:8 = scf.for %scan3A_663 = %scan3A to %scan3A_647 step %scan3A_648 iter_args(%scan3A_664 = %bitcast_convert_type3A, %scan3A_665 = %bitcast_convert_type3A_625, %scan3A_666 = %broadcast_in_dim3A_645, %scan3A_667 = %broadcast_in_dim3A_645, %scan3A_668 = %bitcast_convert_type3A, %scan3A_669 = %bitcast_convert_type3A_625, %scan3A_670 = %broadcast_in_dim3A_645, %scan3A_671 = %broadcast_in_dim3A_645) -> (vector<16xf32>, vector<16xf32>, vector<16xf32>, vector<16xf32>, vector<16xf32>, vector<16xf32>, vector<16xf32>, vector<16xf32>)  : i32 {
      %mul3A_672 = arith.constant 2 : i32
      %mul3A_673 = arith.muli %scan3A_663, %mul3A_672 : i32
      %add3A_674 = arith.constant 0 : i32
      %add3A_675 = arith.addi %mul3A_673, %add3A_674 : i32
      %add3A_676 = vector.broadcast %add3A_675 : i32 to vector<16xi32>
      %add3A_677 = arith.addi %mul3A_631, %add3A_676 : vector<16xi32>
      %gather3A = tpu.vector_load_idx %arg7[%add3A_677] : memref<6400xi32, #tpu.memory_space<vmem>>[vector<16xi32>], vector<16xi32>,
      %bitcast_convert_type3A_678 = tpu.bitcast %gather3A : vector<16xi32> -> vector<16xf32>
      %gather3A_679 = tpu.vector_load_idx %arg8[%add3A_677] : memref<6400xi32, #tpu.memory_space<vmem>>[vector<16xi32>], vector<16xi32>,
      %shift_left3A = arith.constant 16 : i32
      %shift_left3A_680 = vector.broadcast %shift_left3A : i32 to vector<16xi32>
      %shift_left3A_681 = arith.shli %gather3A_679, %shift_left3A_680 : vector<16xi32>
      %bitcast_convert_type3A_682 = tpu.bitcast %shift_left3A_681 : vector<16xi32> -> vector<16xf32>
      %and3A = arith.andi %gather3A_679, %broadcast_in_dim3A_621 : vector<16xi32>
      %bitcast_convert_type3A_683 = tpu.bitcast %and3A : vector<16xi32> -> vector<16xf32>
      %mul3A_684 = arith.mulf %bitcast_convert_type3A_678, %bitcast_convert_type3A_682 : vector<16xf32>
      %add3A_685 = arith.addf %scan3A_664, %mul3A_684 : vector<16xf32>
      %mul3A_686 = arith.mulf %bitcast_convert_type3A_678, %bitcast_convert_type3A_683 : vector<16xf32>
      %add3A_687 = arith.addf %scan3A_665, %mul3A_686 : vector<16xf32>
      %add3A_688 = arith.constant 1 : i32
      %add3A_689 = arith.addi %mul3A_673, %add3A_688 : i32
      %add3A_690 = vector.broadcast %add3A_689 : i32 to vector<16xi32>
      %add3A_691 = arith.addi %mul3A_631, %add3A_690 : vector<16xi32>
      %gather3A_692 = tpu.vector_load_idx %arg7[%add3A_691] : memref<6400xi32, #tpu.memory_space<vmem>>[vector<16xi32>], vector<16xi32>,
      %bitcast_convert_type3A_693 = tpu.bitcast %gather3A_692 : vector<16xi32> -> vector<16xf32>
      %gather3A_694 = tpu.vector_load_idx %arg8[%add3A_691] : memref<6400xi32, #tpu.memory_space<vmem>>[vector<16xi32>], vector<16xi32>,
      %shift_left3A_695 = arith.constant 16 : i32
      %shift_left3A_696 = vector.broadcast %shift_left3A_695 : i32 to vector<16xi32>
      %shift_left3A_697 = arith.shli %gather3A_694, %shift_left3A_696 : vector<16xi32>
      %bitcast_convert_type3A_698 = tpu.bitcast %shift_left3A_697 : vector<16xi32> -> vector<16xf32>
      %and3A_699 = arith.andi %gather3A_694, %broadcast_in_dim3A_621 : vector<16xi32>
      %bitcast_convert_type3A_700 = tpu.bitcast %and3A_699 : vector<16xi32> -> vector<16xf32>
      %mul3A_701 = arith.mulf %bitcast_convert_type3A_693, %bitcast_convert_type3A_698 : vector<16xf32>
      %add3A_702 = arith.addf %scan3A_666, %mul3A_701 : vector<16xf32>
      %mul3A_703 = arith.mulf %bitcast_convert_type3A_693, %bitcast_convert_type3A_700 : vector<16xf32>
      %add3A_704 = arith.addf %scan3A_667, %mul3A_703 : vector<16xf32>
      %add3A_705 = arith.constant 0 : i32
      %add3A_706 = arith.addi %mul3A_673, %add3A_705 : i32
      %add3A_707 = vector.broadcast %add3A_706 : i32 to vector<16xi32>
      %add3A_708 = arith.addi %mul3A_637, %add3A_707 : vector<16xi32>
      %gather3A_709 = tpu.vector_load_idx %arg7[%add3A_708] : memref<6400xi32, #tpu.memory_space<vmem>>[vector<16xi32>], vector<16xi32>,
      %bitcast_convert_type3A_710 = tpu.bitcast %gather3A_709 : vector<16xi32> -> vector<16xf32>
      %gather3A_711 = tpu.vector_load_idx %arg8[%add3A_708] : memref<6400xi32, #tpu.memory_space<vmem>>[vector<16xi32>], vector<16xi32>,
      %shift_left3A_712 = arith.constant 16 : i32
      %shift_left3A_713 = vector.broadcast %shift_left3A_712 : i32 to vector<16xi32>
      %shift_left3A_714 = arith.shli %gather3A_711, %shift_left3A_713 : vector<16xi32>
      %bitcast_convert_type3A_715 = tpu.bitcast %shift_left3A_714 : vector<16xi32> -> vector<16xf32>
      %and3A_716 = arith.andi %gather3A_711, %broadcast_in_dim3A_621 : vector<16xi32>
      %bitcast_convert_type3A_717 = tpu.bitcast %and3A_716 : vector<16xi32> -> vector<16xf32>
      %mul3A_718 = arith.mulf %bitcast_convert_type3A_710, %bitcast_convert_type3A_715 : vector<16xf32>
      %add3A_719 = arith.addf %scan3A_668, %mul3A_718 : vector<16xf32>
      %mul3A_720 = arith.mulf %bitcast_convert_type3A_710, %bitcast_convert_type3A_717 : vector<16xf32>
      %add3A_721 = arith.addf %scan3A_669, %mul3A_720 : vector<16xf32>
      %add3A_722 = arith.constant 1 : i32
      %add3A_723 = arith.addi %mul3A_673, %add3A_722 : i32
      %add3A_724 = vector.broadcast %add3A_723 : i32 to vector<16xi32>
      %add3A_725 = arith.addi %mul3A_637, %add3A_724 : vector<16xi32>
      %gather3A_726 = tpu.vector_load_idx %arg7[%add3A_725] : memref<6400xi32, #tpu.memory_space<vmem>>[vector<16xi32>], vector<16xi32>,
      %bitcast_convert_type3A_727 = tpu.bitcast %gather3A_726 : vector<16xi32> -> vector<16xf32>
      %gather3A_728 = tpu.vector_load_idx %arg8[%add3A_725] : memref<6400xi32, #tpu.memory_space<vmem>>[vector<16xi32>], vector<16xi32>,
      %shift_left3A_729 = arith.constant 16 : i32
      %shift_left3A_730 = vector.broadcast %shift_left3A_729 : i32 to vector<16xi32>
      %shift_left3A_731 = arith.shli %gather3A_728, %shift_left3A_730 : vector<16xi32>
      %bitcast_convert_type3A_732 = tpu.bitcast %shift_left3A_731 : vector<16xi32> -> vector<16xf32>
      %and3A_733 = arith.andi %gather3A_728, %broadcast_in_dim3A_621 : vector<16xi32>
      %bitcast_convert_type3A_734 = tpu.bitcast %and3A_733 : vector<16xi32> -> vector<16xf32>
      %mul3A_735 = arith.mulf %bitcast_convert_type3A_727, %bitcast_convert_type3A_732 : vector<16xf32>
      %add3A_736 = arith.addf %scan3A_670, %mul3A_735 : vector<16xf32>
      %mul3A_737 = arith.mulf %bitcast_convert_type3A_727, %bitcast_convert_type3A_734 : vector<16xf32>
      %add3A_738 = arith.addf %scan3A_671, %mul3A_737 : vector<16xf32>
      scf.yield %add3A_685, %add3A_687, %add3A_702, %add3A_704, %add3A_719, %add3A_721, %add3A_736, %add3A_738 : vector<16xf32>, vector<16xf32>, vector<16xf32>, vector<16xf32>, vector<16xf32>, vector<16xf32>, vector<16xf32>, vector<16xf32>
    }
    %scan3A_650 = arith.constant 100 : i32
    %add3A_651 = arith.addf %scan3A_649#0, %scan3A_649#2 : vector<16xf32>
    %add3A_652 = arith.addf %scan3A_649#1, %scan3A_649#3 : vector<16xf32>
    tpu.vector_store_idx %arg9[%add3A_640], %add3A_651 : memref<64xf32, #tpu.memory_space<vmem>>[vector<16xi32>], vector<16xf32>,
    %add3A_653 = arith.constant 32 : i32
    %add3A_654 = vector.broadcast %add3A_653 : i32 to vector<16xi32>
    %add3A_655 = arith.addi %add3A_640, %add3A_654 : vector<16xi32>
    tpu.vector_store_idx %arg9[%add3A_655], %add3A_652 : memref<64xf32, #tpu.memory_space<vmem>>[vector<16xi32>], vector<16xf32>,
    %add3A_656 = arith.addf %scan3A_649#4, %scan3A_649#6 : vector<16xf32>
    %add3A_657 = arith.addf %scan3A_649#5, %scan3A_649#7 : vector<16xf32>
    tpu.vector_store_idx %arg9[%add3A_643], %add3A_656 : memref<64xf32, #tpu.memory_space<vmem>>[vector<16xi32>], vector<16xf32>,
    %add3A_658 = arith.constant 32 : i32
    %add3A_659 = vector.broadcast %add3A_658 : i32 to vector<16xi32>
    %add3A_660 = arith.addi %add3A_643, %add3A_659 : vector<16xi32>
    tpu.vector_store_idx %arg9[%add3A_660], %add3A_657 : memref<64xf32, #tpu.memory_space<vmem>>[vector<16xi32>], vector<16xf32>,
    "tpu.region"() ({
      %run_scoped3A = tpu.sem_alloc : memref<!tpu.dma_semaphore, #tpu.memory_space<semaphore_mem>>
      %dma_start3A_663 = arith.constant 0 : i32
      %dma_start3A_664 = tpu.memref_slice %arg9[%dma_start3A_663] : memref<64xf32, #tpu.memory_space<vmem>> -> memref<32xf32, #tpu.memory_space<vmem>>
      %dma_start3A_665 = tpu.memref_slice %arg4[%mul3A_2] : memref<2048xf32, #tpu.memory_space<hbm>> -> memref<32xf32, #tpu.memory_space<hbm>>
      %dma_start3A_666 = tpu.memref_slice %arg4[%mul3A_2] : memref<2048xf32, #tpu.memory_space<hbm>> -> memref<32xf32, #tpu.memory_space<hbm>>
      %dma_start3A_667 = arith.constant 0 : i32
      %dma_start3A_668 = tpu.memref_slice %arg9[%dma_start3A_667] : memref<64xf32, #tpu.memory_space<vmem>> -> memref<32xf32, #tpu.memory_space<vmem>>
      tpu.enqueue_dma source(%dma_start3A_668 : memref<32xf32, #tpu.memory_space<vmem>>) target(%dma_start3A_666 : memref<32xf32, #tpu.memory_space<hbm>>) target_semaphore(%run_scoped3A : memref<!tpu.dma_semaphore, #tpu.memory_space<semaphore_mem>>)
      %dma_wait3A_669 = arith.constant 0 : i32
      %dma_wait3A_670 = tpu.memref_slice %arg9[%dma_wait3A_669] : memref<64xf32, #tpu.memory_space<vmem>> -> memref<32xf32, #tpu.memory_space<vmem>>
      %dma_wait3A_671 = tpu.memref_slice %arg4[%mul3A_2] : memref<2048xf32, #tpu.memory_space<hbm>> -> memref<32xf32, #tpu.memory_space<hbm>>
      %dma_wait3A_672 = tpu.memref_slice %arg4[%mul3A_2] : memref<2048xf32, #tpu.memory_space<hbm>> -> memref<32xf32, #tpu.memory_space<hbm>>
      %dma_wait3A_673 = arith.constant 0 : i32
      %dma_wait3A_674 = tpu.memref_slice %arg9[%dma_wait3A_673] : memref<64xf32, #tpu.memory_space<vmem>> -> memref<32xf32, #tpu.memory_space<vmem>>
      tpu.wait_dma2 semaphore(%run_scoped3A : memref<!tpu.dma_semaphore, #tpu.memory_space<semaphore_mem>>) src(%dma_wait3A_674 : memref<32xf32, #tpu.memory_space<vmem>>) dst(%dma_wait3A_672 : memref<32xf32, #tpu.memory_space<hbm>>)
      tpu.yield
    }) : () -> ()
    %add3A_661 = arith.constant 1024 : i32
    %add3A_662 = arith.addi %add3A_661, %mul3A_2 : i32
    "tpu.region"() ({
      %run_scoped3A = tpu.sem_alloc : memref<!tpu.dma_semaphore, #tpu.memory_space<semaphore_mem>>
      %dma_start3A_663 = arith.constant 32 : i32
      %dma_start3A_664 = tpu.memref_slice %arg9[%dma_start3A_663] : memref<64xf32, #tpu.memory_space<vmem>> -> memref<32xf32, #tpu.memory_space<vmem>>
      %dma_start3A_665 = tpu.memref_slice %arg4[%add3A_662] : memref<2048xf32, #tpu.memory_space<hbm>> -> memref<32xf32, #tpu.memory_space<hbm>>
      %dma_start3A_666 = tpu.memref_slice %arg4[%add3A_662] : memref<2048xf32, #tpu.memory_space<hbm>> -> memref<32xf32, #tpu.memory_space<hbm>>
      %dma_start3A_667 = arith.constant 32 : i32
      %dma_start3A_668 = tpu.memref_slice %arg9[%dma_start3A_667] : memref<64xf32, #tpu.memory_space<vmem>> -> memref<32xf32, #tpu.memory_space<vmem>>
      tpu.enqueue_dma source(%dma_start3A_668 : memref<32xf32, #tpu.memory_space<vmem>>) target(%dma_start3A_666 : memref<32xf32, #tpu.memory_space<hbm>>) target_semaphore(%run_scoped3A : memref<!tpu.dma_semaphore, #tpu.memory_space<semaphore_mem>>)
      %dma_wait3A_669 = arith.constant 32 : i32
      %dma_wait3A_670 = tpu.memref_slice %arg9[%dma_wait3A_669] : memref<64xf32, #tpu.memory_space<vmem>> -> memref<32xf32, #tpu.memory_space<vmem>>
      %dma_wait3A_671 = tpu.memref_slice %arg4[%add3A_662] : memref<2048xf32, #tpu.memory_space<hbm>> -> memref<32xf32, #tpu.memory_space<hbm>>
      %dma_wait3A_672 = tpu.memref_slice %arg4[%add3A_662] : memref<2048xf32, #tpu.memory_space<hbm>> -> memref<32xf32, #tpu.memory_space<hbm>>
      %dma_wait3A_673 = arith.constant 32 : i32
      %dma_wait3A_674 = tpu.memref_slice %arg9[%dma_wait3A_673] : memref<64xf32, #tpu.memory_space<vmem>> -> memref<32xf32, #tpu.memory_space<vmem>>
      tpu.wait_dma2 semaphore(%run_scoped3A : memref<!tpu.dma_semaphore, #tpu.memory_space<semaphore_mem>>) src(%dma_wait3A_674 : memref<32xf32, #tpu.memory_space<vmem>>) dst(%dma_wait3A_672 : memref<32xf32, #tpu.memory_space<hbm>>)
      tpu.yield
    }) : () -> ()
    return
  }
}

</mosaic_0001>

<sc_bundles>
// kernel: kernel.3.cloned.1.call-start
scs
__scs_entry_jumppad:
0x0: {  	(pc) =	sbr.rel $0x88, $3  }
0x1: {  	(tag) =	ssettag $0x0;
	lr =	simm.s32 $0x1  }
0x2: {  	[smem:$0x3F9D] =	sst lr;
	_ =	strace $0xD0000000  }
0x3: {  	_ = 	snop  }
0x4: {  	_ = 	snop  }
0x5: {  	_ = 	snop  }
0x6: {  	_ = 	snop  }
0x7: {  	_ = 	snop  }
__scs_overlays_trampoline_lowered:
0x8: {  	[smem:$0x3FAC] =	sst s0  }
0x9: {  	[smem:$0x3FAD] =	sst s1  }
0xa: {  	[smem:$0x3FAE] =	sst s2  }
0xb: {  	[smem:$0x3FAF] =	sst s3  }
0xc: {  	[smem:$0x3FB0] =	sst s4  }
0xd: {  	[smem:$0x3FB1] =	sst s5  }
0xe: {  	[smem:$0x3FB2] =	sst s6  }
0xf: {  	[smem:$0x3FB3] =	sst s7  }
0x10: {  	[smem:$0x3FB4] =	sst s8  }
0x11: {  	[smem:$0x3FB5] =	sst s9;
	s0 =	simm.s32 @!p0 $0x0  }
0x12: {  	s1 =	sld [smem:$0x3F9B];
	s0 =	simm.s32 @p0 $0x1  }
0x13: {  	[smem:$0x3FB6] =	sst s0;
	s0 =	simm.s32 @!p1 $0x0  }
0x14: {  	s2 =	sld [smem:$0x3F9A];
	s0 =	simm.s32 @p1 $0x1  }
0x15: {  	[smem:$0x3FB7] =	sst s0;
	s0 =	simm.s32 @!p2 $0x0  }
0x16: {  	s3 =	sld [smem:$0x3FDB];
	s0 =	simm.s32 @p2 $0x1  }
0x17: {  	s4 =	simm.s32 $0x1BF5;
	[smem:$0x3FB9] =	sst s0  }
0x18: {  	s0 =	sld [smem:$0x3F9C];
	_ =	swait.ge [sflag:s4], $0x0  }
0x19: {  	s7 =	sld [smem:$0x3F9D]  }
0x1a: {  	s8 =	sadd.s32 $0xFFFFE003, lr  }
0x1b: {  	s9 =	sadd.s32 $0xFFFFFEF7, lr;
	s5 =	simm.s32 $0xFFFFFFFF;
	p2 =	slt.u32 s8, $0xFFFFF086  }
0x1c: {  	p1 =	slt.u32 s9, $0xF7A;
	s5 =	simm.s32 @!p2 $0x0  }
0x1d: {  	s5 =	simm.s32 @p1 $0x1;
	p0 =	seq.s32 s7, s2  }
0x1e: {  	s7 =	smul.u32 @!p0 $0xF7A, s2;
	p2 =	seq.s32 @!p0 s5, $0x0  }
0x1f: {  	s9 =	smul.u32 $0xF7A, s1;
	s8 =	simm.s32 @!p0 $0x1BF5;
	p2 =	por !p2, p0  }
0x20: {  	[sflag:s8] =	ssyncset.s32 @!p0 $0xFFFFF086;
	s6 =	sadd.s32 @!p0 s3, s7;
	s7 =	simm.s32 @!p0 $0x108  }
0x21: {  	s3 =	sadd.s32 s3, s9;
	s6 =	sadd.s32 @!p0 $0x88, s6;
	s7 =	simm.s32 @p2 $0x1082  }
0x22: {  	[simem:s7], [sflag:s8] =	dma.local @!p0 [hbm:s6], $0xF7A  }
0x23: {  	s9 =	sor.u32 $0xD0000000, s2;
	s6 =	simm.s32 $0x108;
	_ =	swait.ge @!p0 [sflag:s8], $0x0  }
0x24: {  	s3 =	sadd.s32 $0x88, s3;
	s6 =	simm.s32 @!p1 $0x1082;
	[sflag:s4] =	ssyncset.s32 $0xFFFFF086  }
0x25: {  	[simem:s6], [sflag:s4] =	dma.local [hbm:s3], $0xF7A  }
0x26: {  	[smem:$0x3F9D] =	sst s1;
	(tag) =	ssettag s2;
	_ =	strace s9  }
0x27: {  	s1 =	sld [smem:$0x3FAD]  }
0x28: {  	s2 =	sld [smem:$0x3FAE]  }
0x29: {  	s4 =	sld [smem:$0x3FB0]  }
0x2a: {  	p0 =	seq.s32 s5, $0x0;
	s5 =	sld [smem:$0x3FB1]  }
0x2b: {  	s6 =	sld [smem:$0x3FB2]  }
0x2c: {  	s7 =	sld [smem:$0x3FB3]  }
0x2d: {  	s3 =	simm.s32 $0x108;
	s8 =	sld [smem:$0x3FB4]  }
0x2e: {  	s3 =	simm.s32 @!p0 $0x1082;
	s9 =	sld [smem:$0x3FB5]  }
0x2f: {  	lr =	sadd.s32 s0, s3;
	s0 =	sld [smem:$0x3FAC]  }
0x30: {  	s3 =	sld [smem:$0x3FAF]  }
0x31: {  	[smem:$0x3FB8] =	sst s10  }
0x32: {  	s10 =	sld [smem:$0x3FB6];
	_ =	sdelay $0x3  }
0x33: {  	p0 =	seq.s32 s10, $0x1;
	s10 =	sld [smem:$0x3FB8];
	_ =	sdelay $0x3  }
0x34: {  	[smem:$0x3FB8] =	sst s10  }
0x35: {  	s10 =	sld [smem:$0x3FB7];
	_ =	sdelay $0x3  }
0x36: {  	p1 =	seq.s32 s10, $0x1;
	s10 =	sld [smem:$0x3FB8];
	_ =	sdelay $0x3  }
0x37: {  	[smem:$0x3FB8] =	sst s10  }
0x38: {  	s10 =	sld [smem:$0x3FB9]  }
0x39: {  	_ = 	snop;
	(pc) =	sbr.ind lr, $3  }
0x3a: {  	_ = 	snop  }
0x3b: {  	_ = 	snop  }
0x3c: {  	p2 =	seq.s32 s10, $0x1;
	s10 =	sld [smem:$0x3FB8]  }
0x3d: {  	_ =	shalt  }
0x3e: {  	_ =	shalt  }
0x3f: {  	_ =	shalt  }
0x40: {  	_ =	shalt  }
0x41: {  	_ =	shalt  }
0x42: {  	_ =	shalt  }
0x43: {  	_ =	shalt  }
0x44: {  	_ =	shalt  }
0x45: {  	_ =	shalt  }
0x46: {  	_ =	shalt  }
0x47: {  	_ =	shalt  }
0x48: {  	_ =	shalt  }
0x49: {  	_ =	shalt  }
0x4a: {  	_ =	shalt  }
0x4b: {  	_ =	shalt  }
0x4c: {  	_ =	shalt  }
0x4d: {  	_ =	shalt  }
0x4e: {  	_ =	shalt  }
0x4f: {  	_ =	shalt  }
0x50: {  	_ =	shalt  }
0x51: {  	_ =	shalt  }
0x52: {  	_ =	shalt  }
0x53: {  	_ =	shalt  }
0x54: {  	_ =	shalt  }
0x55: {  	_ =	shalt  }
0x56: {  	_ =	shalt  }
0x57: {  	_ =	shalt  }
0x58: {  	_ =	shalt  }
0x59: {  	_ =	shalt  }
0x5a: {  	_ =	shalt  }
0x5b: {  	_ =	shalt  }
0x5c: {  	_ =	shalt  }
0x5d: {  	_ =	shalt  }
0x5e: {  	_ =	shalt  }
0x5f: {  	_ =	shalt  }
0x60: {  	_ =	shalt  }
0x61: {  	_ =	shalt  }
0x62: {  	_ =	shalt  }
0x63: {  	_ =	shalt  }
0x64: {  	_ =	shalt  }
0x65: {  	_ =	shalt  }
0x66: {  	_ =	shalt  }
0x67: {  	_ =	shalt  }
0x68: {  	_ =	shalt  }
0x69: {  	_ =	shalt  }
0x6a: {  	_ =	shalt  }
0x6b: {  	_ =	shalt  }
0x6c: {  	_ =	shalt  }
0x6d: {  	_ =	shalt  }
0x6e: {  	_ =	shalt  }
0x6f: {  	_ =	shalt  }
0x70: {  	_ =	shalt  }
0x71: {  	_ =	shalt  }
0x72: {  	_ =	shalt  }
0x73: {  	_ =	shalt  }
0x74: {  	_ =	shalt  }
0x75: {  	_ =	shalt  }
0x76: {  	_ =	shalt  }
0x77: {  	_ =	shalt  }
0x78: {  	_ =	shalt  }
0x79: {  	_ =	shalt  }
0x7a: {  	_ =	shalt  }
0x7b: {  	_ =	shalt  }
0x7c: {  	_ =	shalt  }
0x7d: {  	_ =	shalt  }
0x7e: {  	_ =	shalt  }
0x7f: {  	_ =	shalt  }
0x80: {  	_ =	shalt  }
0x81: {  	_ =	shalt  }
0x82: {  	_ =	shalt  }
0x83: {  	_ =	shalt  }
0x84: {  	_ =	shalt  }
0x85: {  	_ =	shalt  }
0x86: {  	_ =	shalt  }
0x87: {  	_ =	shalt  }
.Lfunc_end0:
.L_simem_size_0:
called_computation_lowered:
.L_overlay_start_0:
0x88: {  	s2 =	sld [smem:$0x3FD9]  }
0x89: {  	s3 =	sld [smem:$0x3FFE];
	_ =	sdelay $0x1  }
0x8a: {  	s1 =	srdreg.scid  }
0x8b: {  	s0 =	sand.u32 $0x1, s1  }
0x8c: {  	s16 =	sshll.u32 s0, $0xA;
	s2 =	sadd.s32 s3, s2  }
0x8d: {  	s2 =	sadd.s32 s2, s16  }
0x8e: {  	[smem:$0x3FC4] =	sst s2  }
0x8f: {  	_ = 	snop  }
0x90: {  	(tm) =	ssettm $0x1  }
0x91: {  	s17 =	sld [smem:$0x3FFB];
	_ =	sdelay $0x3  }
0x92: {  	_ =	strace s17  }
0x93: {  	s2 =	sld [smem:$0x3FFC];
	_ =	sdelay $0x3  }
0x94: {  	_ =	strace s2  }
0x95: {  	s2 =	sld [smem:$0x3FFD];
	_ =	sdelay $0x3  }
0x96: {  	_ =	strace s2  }
0x97: {  	_ =	strace $0x8FFFFFFF  }
0x98: {  	s18 =	sld [smem:$0x3FDB];
	_ =	sdelay $0x1  }
0x99: {  	s19 =	simm.s32 $_scs_section_size  }
0x9a: {  	s4 =	simm.s32 $_size__tile_overlayer_lowered;
	s5 =	simm.s32 $_tile_overlayer_lowered  }
0x9b: {  	s22 =	simm.s32 $0x1BFF;
	s21 =	sshll.u32 s5, $0x1;
	s2 =	sadd.s32 s19, s18  }
0x9c: {  	s6 =	simm.s32 $0x0;
	s20 =	sshll.u32 s4, $0x1;
	s4 =	sadd.s32 s21, s2  }
0x9d: {  	[timem:s6], [sflag:s22] =	dma.local [hbm:s4], s20  }
0x9e: {  	_ =	swait.ge [sflag:s22], s20  }
0x9f: {  	s3 =	ssub.s32 $0x0, s20;
	[sflag:s22] =	ssyncset.done $0x0  }
0xa0: {  	[sflag:s22] =	ssyncadd.s32 s3;
	_ =	sdelay $0x1  }
0xa1: {  	s23 =	simm.s32 $0x1B8B  }
0xa2: {  	_ =	swait.ge [sflag:s23], $0x1  }
0xa3: {  	[sflag:s23] =	ssyncset.done $0x0  }
0xa4: {  	s25 =	simm.s32 $0x1B8E;
	s24 =	sld [smem:$0x3FFE];
	[sflag:s23] =	ssyncadd.s32 $0xFFFFFFFF  }
0xa5: {  	s26 =	simm.s32 $execute0_lowered;
	[smem:$0x3FD2] =	sst s25  }
0xa6: {  	s4 =	sshll.u32 s26, $0x1;
	_ =	strace $0x80000046;
	[dreg:$0x1] =	wrdreg $0xFFFFFFFF  }
0xa7: {  	s28 =	simm.s32 $_size_execute0_lowered;
	s2 =	sadd.s32 s2, s4;
	[dreg:$0x0] =	wrdreg $0x0  }
0xa8: {  	s4 =	sshll.u32 s28, $0x1;
	[dreg:$0x2] =	wrdreg s2  }
0xa9: {  	[dreg:$0x3] =	wrdreg s4  }
0xaa: {  	[dreg:$0x4] =	wrdreg $0xC0  }
0xab: {  	_ =	task [dreg:s6], $0x5FFFF  }
0xac: {  	[dreg:$0x1] =	wrdreg $0xFFFFFFFF  }
0xad: {  	[dreg:$0x0] =	wrdreg $0x60  }
0xae: {  	[dreg:$0x2] =	wrdreg s24  }
0xaf: {  	[dreg:$0x3] =	wrdreg $0x0  }
0xb0: {  	[dreg:$0x4] =	wrdreg $0x9  }
0xb1: {  	_ =	task.clear_ibuf [dreg:s6], $0x5FFFF;
	_ =	strace $0x90000046  }
0xb2: {  	s29 =	simm.s32 $0x9;
	_ =	strace $0x80000048  }
0xb3: {  	_ =	swait.ge [sflag:s29], $0x1  }
0xb4: {  	[sflag:s29] =	ssyncadd.s32 $0xFFFFFFFF  }
0xb5: {  	_ =	strace $0x90000048  }
0xb6: {  	_ =	sfence  }
0xb7: {  	s30 =	sld [smem:$0x0];
	_ =	sdelay $0x2  }
0xb8: {  	s31 =	sshll.u32 s1, $0xD;
	s1 =	sshrl.u32 s1, $0x2  }
0xb9: {  	s3 =	sand.u32 $0x4000, s31;
	s1 =	sadd.s32 s1, s30  }
0xba: {  	s0 =	sor.u32 s3, s0;
	s1 =	sshll.u32 s1, $0x11  }
0xbb: {  	s0 =	sor.u32 s1, s0  }
0xbc: {  	s0 =	sadd.s32 $0x8F2B, s0  }
0xbd: {  	[sflag:s0] =	ssyncadd.remote.s32 $0x1  }
0xbe: {  	_ =	sfence.sel $0xFFFF  }
0xbf: {  	[dreg:$0x0] =	wrdreg $0xFFFFFFFF;
	(pc) =	sbr.abs _section_cstart, $3  }
0xc0: {  	[dreg:$0x1] =	wrdreg $0xFFFFFFFF  }
0xc1: {  	_ =	task.clear_ibuf [dreg:s6], $0x2FFFF;
	_ =	strace $0x9FFFFFFF  }
0xc2: {  	(tm) =	ssettm $0x7FFFFFFF  }
0xc3: {  	_ =	shalt  }
tec
execute0_lowered:
.L_overlay_start_1:
0x0: {  	(tag) =	ssettag $0x1  }
0x1: {  	s0 =	srdreg.scid;
	s4 =	rddreg [dreg:$0x0]  }
0x2: {  	s8 =	stileid.u32;
	s1 =	rddreg [dreg:$0x1]  }
0x3: {  	s10 =	simm.s32 $0xC38;
	s11 =	simm.s32 $0x3;
	s12 =	simm.s32 $0x2538  }
0x4: {  	s13 =	simm.s32 $0x80;
	s14 =	simm.s32 $0x3E38;
	s19 =	simm.s32 $0x54B8  }
0x5: {  	s20 =	simm.s32 $0x2338;
	s21 =	simm.s32 $0x5538;
	s22 =	simm.s32 $0x23B8  }
0x6: {  	s23 =	simm.s32 $0x55B8;
	s24 =	simm.s32 $0x2438;
	s25 =	simm.s32 $0x5638  }
0x7: {  	s28 =	simm.s32 $0x56B8;
	s29 =	simm.s32 $0x5778;
	s30 =	simm.s32 $0x5788  }
0x8: {  	s31 =	simm.s32 $0x2;
	s15 =	simm.s32 $0x5758;
	s16 =	simm.s32 $0x0  }
0x9: {  	s0 =	sand.u32 $0x1, s0;
	s2 =	sshll.u32 s8, $0x1;
	p0 =	sne.s32 s8, $0x0  }
0xa: {  	s3 =	sor.u32 s0, s2;
	s2 =	simm.s32 $0x0;
	s0 =	ssub.s32 $0x2, s0  }
0xb: {  	s9 =	sshrl.u32 @!p0 s1, $0x3;
	s5 =	smul.u32 $0x1900, s3;
	[smem:$0x7FF] =	sst s2  }
0xc: {  	s6 =	sshll.u32 s3, $0x2;
	s3 =	sadd.s32 $0xCE00, s4;
	s26 =	sshrl.u32 s0, $0x1  }
0xd: {  	v0 =	vlaneseq.u32;
	_ =	strace $0x80000047;
	s7 =	sadd.s32 s6, s4;
	s0 =	ssub.s32 s0, s26  }
0xe: {  	vm0 =	vmmov $0xffff;
	v1 =	vmul.u32 $0xC8, v0;
	s26 =	simm.s32 $0x24B8;
	s5 =	sshrl.u32 s5, $0x3;
	s6 =	sadd.s32 $0xE800, s7  }
0xf: {  	v2 =	vimm.s32 $0xC350;
	v3 =	vimm.s32 $0xC351;
	v5 =	vor.u32 $0x20, v0;
	s7 =	sadd.s32 $0xE880, s7;
	s8 =	smax.u32 s0, $0x1;
	s5 =	sadd.s32 s5, s4  }
0x10: {  	v6 =	vor.u32 $0x10, v0;
	v7 =	vor.u32 $0x30, v0;
	v4 =	vadd.s32 $0xC80, v1;
	s0 =	simm.s32 $0x5738;
	s4 =	sadd.s32 $0x600, s5;
	s5 =	sadd.s32 $0x6A00, s5  }
.LBB2_1:
0x11: {  	s17 =	simm.s32 @!p0 $0x1C01  }
0x12: {  	[spmem:s9], [sflag:s17] =	dma.local @!p0 [hbm:s3], $0x186B  }
0x13: {  	s17 =	simm.s32 @!p0 $0x1  }
0x14: {  	_ =	swait.ge @!p0 [sflag:s17], $0x186B  }
0x15: {  	[sflag:s17] =	ssyncset.done @!p0 $0x0  }
0x16: {  	[sflag:s17] =	ssyncadd.s32 @!p0 $0xFFFFE795  }
0x17: {  	[tilespmem:s10], [sflag:$0x3] =	stream.linear.gather [hbm4b:s4+s2], $0x1900, $0x38;
	[tilespmem:$0x5798] =	vst v63  }
0x18: {  	_ =	swait.ge [sflag:s11], $0x1900  }
0x19: {  	[sflag:s11] =	ssyncset.done $0x0  }
0x1a: {  	[sflag:s11] =	ssyncadd.s32 $0xFFFFE700  }
0x1b: {  	[tilespmem:s12], [sflag:$0x3] =	stream.linear.gather [hbm4b:s5+s2], $0x1900, $0x38;
	[tilespmem:$0x5798] =	vst v63  }
0x1c: {  	_ =	swait.ge [sflag:s11], $0x1900  }
0x1d: {  	[sflag:s11] =	ssyncset.done $0x0  }
0x1e: {  	[sflag:s11] =	ssyncadd.s32 $0xFFFFE700  }
0x1f: {  	[bflag:$0x0] =	sbarrier.arrive $0xFFFF  }
0x20: {  	[tilespmem:s14], [sflag:$0x2] =	stream.indirect.gather [spmem:s1], $0x1, s10, s13, $0xb8;
	[tilespmem:$0x5798] =	vst v63  }
0x21: {  	s18 =	simm.s32 $0x3EB8;
	s17 =	simm.s32 $0xCB8  }
0x22: {  	[tilespmem:s18], [sflag:$0x2] =	stream.indirect.gather [spmem:s1], $0x1, s17, s13, $0xb8;
	[tilespmem:$0x5798] =	vst v63  }
0x23: {  	s17 =	simm.s32 $0xD38;
	s18 =	simm.s32 $0x3F38  }
0x24: {  	[tilespmem:s18], [sflag:$0x2] =	stream.indirect.gather [spmem:s1], $0x1, s17, s13, $0xb8;
	[tilespmem:$0x5798] =	vst v63  }
0x25: {  	s17 =	simm.s32 $0xDB8;
	s18 =	simm.s32 $0x3FB8  }
0x26: {  	[tilespmem:s18], [sflag:$0x2] =	stream.indirect.gather [spmem:s1], $0x1, s17, s13, $0xb8;
	[tilespmem:$0x5798] =	vst v63  }
0x27: {  	s17 =	simm.s32 $0xE38;
	s18 =	simm.s32 $0x4038  }
0x28: {  	[tilespmem:s18], [sflag:$0x2] =	stream.indirect.gather [spmem:s1], $0x1, s17, s13, $0xb8;
	[tilespmem:$0x5798] =	vst v63  }
0x29: {  	s17 =	simm.s32 $0xEB8;
	s18 =	simm.s32 $0x40B8  }
0x2a: {  	[tilespmem:s18], [sflag:$0x2] =	stream.indirect.gather [spmem:s1], $0x1, s17, s13, $0xb8;
	[tilespmem:$0x5798] =	vst v63  }
0x2b: {  	s17 =	simm.s32 $0xF38;
	s18 =	simm.s32 $0x4138  }
0x2c: {  	[tilespmem:s18], [sflag:$0x2] =	stream.indirect.gather [spmem:s1], $0x1, s17, s13, $0xb8;
	[tilespmem:$0x5798] =	vst v63  }
0x2d: {  	s17 =	simm.s32 $0xFB8;
	s18 =	simm.s32 $0x41B8  }
0x2e: {  	[tilespmem:s18], [sflag:$0x2] =	stream.indirect.gather [spmem:s1], $0x1, s17, s13, $0xb8;
	[tilespmem:$0x5798] =	vst v63  }
0x2f: {  	s17 =	simm.s32 $0x1038;
	s18 =	simm.s32 $0x4238  }
0x30: {  	[tilespmem:s18], [sflag:$0x2] =	stream.indirect.gather [spmem:s1], $0x1, s17, s13, $0xb8;
	[tilespmem:$0x5798] =	vst v63  }
0x31: {  	s17 =	simm.s32 $0x10B8;
	s18 =	simm.s32 $0x42B8  }
0x32: {  	[tilespmem:s18], [sflag:$0x2] =	stream.indirect.gather [spmem:s1], $0x1, s17, s13, $0xb8;
	[tilespmem:$0x5798] =	vst v63  }
0x33: {  	s17 =	simm.s32 $0x1138;
	s18 =	simm.s32 $0x4338  }
0x34: {  	[tilespmem:s18], [sflag:$0x2] =	stream.indirect.gather [spmem:s1], $0x1, s17, s13, $0xb8;
	[tilespmem:$0x5798] =	vst v63  }
0x35: {  	s17 =	simm.s32 $0x11B8;
	s18 =	simm.s32 $0x43B8  }
0x36: {  	[tilespmem:s18], [sflag:$0x2] =	stream.indirect.gather [spmem:s1], $0x1, s17, s13, $0xb8;
	[tilespmem:$0x5798] =	vst v63  }
0x37: {  	s17 =	simm.s32 $0x1238;
	s18 =	simm.s32 $0x4438  }
0x38: {  	[tilespmem:s18], [sflag:$0x2] =	stream.indirect.gather [spmem:s1], $0x1, s17, s13, $0xb8;
	[tilespmem:$0x5798] =	vst v63  }
0x39: {  	s17 =	simm.s32 $0x12B8;
	s18 =	simm.s32 $0x44B8  }
0x3a: {  	[tilespmem:s18], [sflag:$0x2] =	stream.indirect.gather [spmem:s1], $0x1, s17, s13, $0xb8;
	[tilespmem:$0x5798] =	vst v63  }
0x3b: {  	s17 =	simm.s32 $0x1338;
	s18 =	simm.s32 $0x4538  }
0x3c: {  	[tilespmem:s18], [sflag:$0x2] =	stream.indirect.gather [spmem:s1], $0x1, s17, s13, $0xb8;
	[tilespmem:$0x5798] =	vst v63  }
0x3d: {  	s17 =	simm.s32 $0x13B8;
	s18 =	simm.s32 $0x45B8  }
0x3e: {  	[tilespmem:s18], [sflag:$0x2] =	stream.indirect.gather [spmem:s1], $0x1, s17, s13, $0xb8;
	[tilespmem:$0x5798] =	vst v63  }
0x3f: {  	s17 =	simm.s32 $0x1438;
	s18 =	simm.s32 $0x4638  }
0x40: {  	[tilespmem:s18], [sflag:$0x2] =	stream.indirect.gather [spmem:s1], $0x1, s17, s13, $0xb8;
	[tilespmem:$0x5798] =	vst v63  }
0x41: {  	s17 =	simm.s32 $0x14B8;
	s18 =	simm.s32 $0x46B8  }
0x42: {  	[tilespmem:s18], [sflag:$0x2] =	stream.indirect.gather [spmem:s1], $0x1, s17, s13, $0xb8;
	[tilespmem:$0x5798] =	vst v63  }
0x43: {  	s17 =	simm.s32 $0x1538;
	s18 =	simm.s32 $0x4738  }
0x44: {  	[tilespmem:s18], [sflag:$0x2] =	stream.indirect.gather [spmem:s1], $0x1, s17, s13, $0xb8;
	[tilespmem:$0x5798] =	vst v63  }
0x45: {  	s17 =	simm.s32 $0x15B8;
	s18 =	simm.s32 $0x47B8  }
0x46: {  	[tilespmem:s18], [sflag:$0x2] =	stream.indirect.gather [spmem:s1], $0x1, s17, s13, $0xb8;
	[tilespmem:$0x5798] =	vst v63  }
0x47: {  	s17 =	simm.s32 $0x1638;
	s18 =	simm.s32 $0x4838  }
0x48: {  	[tilespmem:s18], [sflag:$0x2] =	stream.indirect.gather [spmem:s1], $0x1, s17, s13, $0xb8;
	[tilespmem:$0x5798] =	vst v63  }
0x49: {  	s17 =	simm.s32 $0x16B8;
	s18 =	simm.s32 $0x48B8  }
0x4a: {  	[tilespmem:s18], [sflag:$0x2] =	stream.indirect.gather [spmem:s1], $0x1, s17, s13, $0xb8;
	[tilespmem:$0x5798] =	vst v63  }
0x4b: {  	s17 =	simm.s32 $0x1738;
	s18 =	simm.s32 $0x4938  }
0x4c: {  	[tilespmem:s18], [sflag:$0x2] =	stream.indirect.gather [spmem:s1], $0x1, s17, s13, $0xb8;
	[tilespmem:$0x5798] =	vst v63  }
0x4d: {  	s17 =	simm.s32 $0x17B8;
	s18 =	simm.s32 $0x49B8  }
0x4e: {  	[tilespmem:s18], [sflag:$0x2] =	stream.indirect.gather [spmem:s1], $0x1, s17, s13, $0xb8;
	[tilespmem:$0x5798] =	vst v63  }
0x4f: {  	s17 =	simm.s32 $0x1838;
	s18 =	simm.s32 $0x4A38  }
0x50: {  	[tilespmem:s18], [sflag:$0x2] =	stream.indirect.gather [spmem:s1], $0x1, s17, s13, $0xb8;
	[tilespmem:$0x5798] =	vst v63  }
0x51: {  	s17 =	simm.s32 $0x18B8;
	s18 =	simm.s32 $0x4AB8  }
0x52: {  	[tilespmem:s18], [sflag:$0x2] =	stream.indirect.gather [spmem:s1], $0x1, s17, s13, $0xb8;
	[tilespmem:$0x5798] =	vst v63  }
0x53: {  	s17 =	simm.s32 $0x1938;
	s18 =	simm.s32 $0x4B38  }
0x54: {  	[tilespmem:s18], [sflag:$0x2] =	stream.indirect.gather [spmem:s1], $0x1, s17, s13, $0xb8;
	[tilespmem:$0x5798] =	vst v63  }
0x55: {  	s17 =	simm.s32 $0x19B8;
	s18 =	simm.s32 $0x4BB8  }
0x56: {  	[tilespmem:s18], [sflag:$0x2] =	stream.indirect.gather [spmem:s1], $0x1, s17, s13, $0xb8;
	[tilespmem:$0x5798] =	vst v63  }
0x57: {  	s17 =	simm.s32 $0x1A38;
	s18 =	simm.s32 $0x4C38  }
0x58: {  	[tilespmem:s18], [sflag:$0x2] =	stream.indirect.gather [spmem:s1], $0x1, s17, s13, $0xb8;
	[tilespmem:$0x5798] =	vst v63  }
0x59: {  	s17 =	simm.s32 $0x1AB8;
	s18 =	simm.s32 $0x4CB8  }
0x5a: {  	[tilespmem:s18], [sflag:$0x2] =	stream.indirect.gather [spmem:s1], $0x1, s17, s13, $0xb8;
	[tilespmem:$0x5798] =	vst v63  }
0x5b: {  	s17 =	simm.s32 $0x1B38;
	s18 =	simm.s32 $0x4D38  }
0x5c: {  	[tilespmem:s18], [sflag:$0x2] =	stream.indirect.gather [spmem:s1], $0x1, s17, s13, $0xb8;
	[tilespmem:$0x5798] =	vst v63  }
0x5d: {  	s17 =	simm.s32 $0x1BB8;
	s18 =	simm.s32 $0x4DB8  }
0x5e: {  	[tilespmem:s18], [sflag:$0x2] =	stream.indirect.gather [spmem:s1], $0x1, s17, s13, $0xb8;
	[tilespmem:$0x5798] =	vst v63  }
0x5f: {  	s17 =	simm.s32 $0x1C38;
	s18 =	simm.s32 $0x4E38  }
0x60: {  	[tilespmem:s18], [sflag:$0x2] =	stream.indirect.gather [spmem:s1], $0x1, s17, s13, $0xb8;
	[tilespmem:$0x5798] =	vst v63  }
0x61: {  	s17 =	simm.s32 $0x1CB8;
	s18 =	simm.s32 $0x4EB8  }
0x62: {  	[tilespmem:s18], [sflag:$0x2] =	stream.indirect.gather [spmem:s1], $0x1, s17, s13, $0xb8;
	[tilespmem:$0x5798] =	vst v63  }
0x63: {  	s17 =	simm.s32 $0x1D38;
	s18 =	simm.s32 $0x4F38  }
0x64: {  	[tilespmem:s18], [sflag:$0x2] =	stream.indirect.gather [spmem:s1], $0x1, s17, s13, $0xb8;
	[tilespmem:$0x5798] =	vst v63  }
0x65: {  	s17 =	simm.s32 $0x1DB8;
	s18 =	simm.s32 $0x4FB8  }
0x66: {  	[tilespmem:s18], [sflag:$0x2] =	stream.indirect.gather [spmem:s1], $0x1, s17, s13, $0xb8;
	[tilespmem:$0x5798] =	vst v63  }
0x67: {  	s17 =	simm.s32 $0x1E38;
	s18 =	simm.s32 $0x5038  }
0x68: {  	[tilespmem:s18], [sflag:$0x2] =	stream.indirect.gather [spmem:s1], $0x1, s17, s13, $0xb8;
	[tilespmem:$0x5798] =	vst v63  }
0x69: {  	s17 =	simm.s32 $0x1EB8;
	s18 =	simm.s32 $0x50B8  }
0x6a: {  	[tilespmem:s18], [sflag:$0x2] =	stream.indirect.gather [spmem:s1], $0x1, s17, s13, $0xb8;
	[tilespmem:$0x5798] =	vst v63  }
0x6b: {  	s17 =	simm.s32 $0x1F38;
	s18 =	simm.s32 $0x5138  }
0x6c: {  	[tilespmem:s18], [sflag:$0x2] =	stream.indirect.gather [spmem:s1], $0x1, s17, s13, $0xb8;
	[tilespmem:$0x5798] =	vst v63  }
0x6d: {  	s17 =	simm.s32 $0x1FB8;
	s18 =	simm.s32 $0x51B8  }
0x6e: {  	[tilespmem:s18], [sflag:$0x2] =	stream.indirect.gather [spmem:s1], $0x1, s17, s13, $0xb8;
	[tilespmem:$0x5798] =	vst v63  }
0x6f: {  	s17 =	simm.s32 $0x2038;
	s18 =	simm.s32 $0x5238  }
0x70: {  	[tilespmem:s18], [sflag:$0x2] =	stream.indirect.gather [spmem:s1], $0x1, s17, s13, $0xb8;
	[tilespmem:$0x5798] =	vst v63  }
0x71: {  	s17 =	simm.s32 $0x20B8;
	s18 =	simm.s32 $0x52B8  }
0x72: {  	[tilespmem:s18], [sflag:$0x2] =	stream.indirect.gather [spmem:s1], $0x1, s17, s13, $0xb8;
	[tilespmem:$0x5798] =	vst v63  }
0x73: {  	s17 =	simm.s32 $0x2138;
	s18 =	simm.s32 $0x5338  }
0x74: {  	[tilespmem:s18], [sflag:$0x2] =	stream.indirect.gather [spmem:s1], $0x1, s17, s13, $0xb8;
	[tilespmem:$0x5798] =	vst v63  }
0x75: {  	s17 =	simm.s32 $0x21B8;
	s18 =	simm.s32 $0x53B8  }
0x76: {  	[tilespmem:s18], [sflag:$0x2] =	stream.indirect.gather [spmem:s1], $0x1, s17, s13, $0xb8;
	[tilespmem:$0x5798] =	vst v63  }
0x77: {  	s17 =	simm.s32 $0x2238;
	s18 =	simm.s32 $0x5438  }
0x78: {  	[tilespmem:s18], [sflag:$0x2] =	stream.indirect.gather [spmem:s1], $0x1, s17, s13, $0xb8;
	[tilespmem:$0x5798] =	vst v63  }
0x79: {  	s18 =	simm.s32 $0x22B8  }
0x7a: {  	[tilespmem:s19], [sflag:$0x2] =	stream.indirect.gather [spmem:s1], $0x1, s18, s13, $0xb8;
	[tilespmem:$0x5798] =	vst v63  }
0x7b: {  	_ = 	snop  }
0x7c: {  	[tilespmem:s21], [sflag:$0x2] =	stream.indirect.gather [spmem:s1], $0x1, s20, s13, $0xb8;
	[tilespmem:$0x5798] =	vst v63  }
0x7d: {  	_ = 	snop  }
0x7e: {  	[tilespmem:s23], [sflag:$0x2] =	stream.indirect.gather [spmem:s1], $0x1, s22, s13, $0xb8;
	[tilespmem:$0x5798] =	vst v63  }
0x7f: {  	_ = 	snop  }
0x80: {  	[tilespmem:s25], [sflag:$0x2] =	stream.indirect.gather [spmem:s1], $0x1, s24, s13, $0xb8;
	[tilespmem:$0x5798] =	vst v63  }
0x81: {  	_ = 	snop  }
0x82: {  	[tilespmem:s28], [sflag:$0x2] =	stream.indirect.gather [spmem:s1], $0x1, s26, s13, $0xb8;
	[tilespmem:$0x5798] =	vst v63  }
0x83: {  	_ = 	snop  }
0x84: {  	[tilespmem:s29], [sflag:$0x2] =	stream.indirect_vreg.gather [spmem:s1], $0x1, v2, vm0, $0xb8;
	[tilespmem:$0x5798] =	vst v63  }
0x85: {  	_ = 	snop  }
0x86: {  	[tilespmem:s30], [sflag:$0x2] =	stream.indirect_vreg.gather [spmem:s1], $0x1, v3, vm0, $0xb8;
	[tilespmem:$0x5798] =	vst v63  }
0x87: {  	_ =	swait.ge [sflag:s31], $0x80  }
0x88: {  	[sflag:s31] =	ssyncset.done $0x0  }
0x89: {  	[sflag:s31] =	ssyncadd.s32 $0xFFFFFF80  }
0x8a: {  	_ =	swait.ge [sflag:s31], $0x80  }
0x8b: {  	[sflag:s31] =	ssyncset.done $0x0  }
0x8c: {  	[sflag:s31] =	ssyncadd.s32 $0xFFFFFF80  }
0x8d: {  	_ =	swait.ge [sflag:s31], $0x80  }
0x8e: {  	[sflag:s31] =	ssyncset.done $0x0  }
0x8f: {  	[sflag:s31] =	ssyncadd.s32 $0xFFFFFF80  }
0x90: {  	_ =	swait.ge [sflag:s31], $0x80  }
0x91: {  	[sflag:s31] =	ssyncset.done $0x0  }
0x92: {  	[sflag:s31] =	ssyncadd.s32 $0xFFFFFF80  }
0x93: {  	_ =	swait.ge [sflag:s31], $0x80  }
0x94: {  	[sflag:s31] =	ssyncset.done $0x0  }
0x95: {  	[sflag:s31] =	ssyncadd.s32 $0xFFFFFF80  }
0x96: {  	_ =	swait.ge [sflag:s31], $0x80  }
0x97: {  	[sflag:s31] =	ssyncset.done $0x0  }
0x98: {  	[sflag:s31] =	ssyncadd.s32 $0xFFFFFF80  }
0x99: {  	_ =	swait.ge [sflag:s31], $0x80  }
0x9a: {  	[sflag:s31] =	ssyncset.done $0x0  }
0x9b: {  	[sflag:s31] =	ssyncadd.s32 $0xFFFFFF80  }
0x9c: {  	_ =	swait.ge [sflag:s31], $0x80  }
0x9d: {  	[sflag:s31] =	ssyncset.done $0x0  }
0x9e: {  	[sflag:s31] =	ssyncadd.s32 $0xFFFFFF80  }
0x9f: {  	_ =	swait.ge [sflag:s31], $0x80  }
0xa0: {  	[sflag:s31] =	ssyncset.done $0x0  }
0xa1: {  	[sflag:s31] =	ssyncadd.s32 $0xFFFFFF80  }
0xa2: {  	_ =	swait.ge [sflag:s31], $0x80  }
0xa3: {  	[sflag:s31] =	ssyncset.done $0x0  }
0xa4: {  	[sflag:s31] =	ssyncadd.s32 $0xFFFFFF80  }
0xa5: {  	_ =	swait.ge [sflag:s31], $0x80  }
0xa6: {  	[sflag:s31] =	ssyncset.done $0x0  }
0xa7: {  	[sflag:s31] =	ssyncadd.s32 $0xFFFFFF80  }
0xa8: {  	_ =	swait.ge [sflag:s31], $0x80  }
0xa9: {  	[sflag:s31] =	ssyncset.done $0x0  }
0xaa: {  	[sflag:s31] =	ssyncadd.s32 $0xFFFFFF80  }
0xab: {  	_ =	swait.ge [sflag:s31], $0x80  }
0xac: {  	[sflag:s31] =	ssyncset.done $0x0  }
0xad: {  	[sflag:s31] =	ssyncadd.s32 $0xFFFFFF80  }
0xae: {  	_ =	swait.ge [sflag:s31], $0x80  }
0xaf: {  	[sflag:s31] =	ssyncset.done $0x0  }
0xb0: {  	[sflag:s31] =	ssyncadd.s32 $0xFFFFFF80  }
0xb1: {  	_ =	swait.ge [sflag:s31], $0x80  }
0xb2: {  	[sflag:s31] =	ssyncset.done $0x0  }
0xb3: {  	[sflag:s31] =	ssyncadd.s32 $0xFFFFFF80  }
0xb4: {  	_ =	swait.ge [sflag:s31], $0x80  }
0xb5: {  	[sflag:s31] =	ssyncset.done $0x0  }
0xb6: {  	[sflag:s31] =	ssyncadd.s32 $0xFFFFFF80  }
0xb7: {  	_ =	swait.ge [sflag:s31], $0x80  }
0xb8: {  	[sflag:s31] =	ssyncset.done $0x0  }
0xb9: {  	[sflag:s31] =	ssyncadd.s32 $0xFFFFFF80  }
0xba: {  	_ =	swait.ge [sflag:s31], $0x80  }
0xbb: {  	[sflag:s31] =	ssyncset.done $0x0  }
0xbc: {  	[sflag:s31] =	ssyncadd.s32 $0xFFFFFF80  }
0xbd: {  	_ =	swait.ge [sflag:s31], $0x80  }
0xbe: {  	[sflag:s31] =	ssyncset.done $0x0  }
0xbf: {  	[sflag:s31] =	ssyncadd.s32 $0xFFFFFF80  }
0xc0: {  	_ =	swait.ge [sflag:s31], $0x80  }
0xc1: {  	[sflag:s31] =	ssyncset.done $0x0  }
0xc2: {  	[sflag:s31] =	ssyncadd.s32 $0xFFFFFF80  }
0xc3: {  	_ =	swait.ge [sflag:s31], $0x80  }
0xc4: {  	[sflag:s31] =	ssyncset.done $0x0  }
0xc5: {  	[sflag:s31] =	ssyncadd.s32 $0xFFFFFF80  }
0xc6: {  	_ =	swait.ge [sflag:s31], $0x80  }
0xc7: {  	[sflag:s31] =	ssyncset.done $0x0  }
0xc8: {  	[sflag:s31] =	ssyncadd.s32 $0xFFFFFF80  }
0xc9: {  	_ =	swait.ge [sflag:s31], $0x80  }
0xca: {  	[sflag:s31] =	ssyncset.done $0x0  }
0xcb: {  	[sflag:s31] =	ssyncadd.s32 $0xFFFFFF80  }
0xcc: {  	_ =	swait.ge [sflag:s31], $0x80  }
0xcd: {  	[sflag:s31] =	ssyncset.done $0x0  }
0xce: {  	[sflag:s31] =	ssyncadd.s32 $0xFFFFFF80  }
0xcf: {  	_ =	swait.ge [sflag:s31], $0x80  }
0xd0: {  	[sflag:s31] =	ssyncset.done $0x0  }
0xd1: {  	[sflag:s31] =	ssyncadd.s32 $0xFFFFFF80  }
0xd2: {  	_ =	swait.ge [sflag:s31], $0x80  }
0xd3: {  	[sflag:s31] =	ssyncset.done $0x0  }
0xd4: {  	[sflag:s31] =	ssyncadd.s32 $0xFFFFFF80  }
0xd5: {  	_ =	swait.ge [sflag:s31], $0x80  }
0xd6: {  	[sflag:s31] =	ssyncset.done $0x0  }
0xd7: {  	[sflag:s31] =	ssyncadd.s32 $0xFFFFFF80  }
0xd8: {  	_ =	swait.ge [sflag:s31], $0x80  }
0xd9: {  	[sflag:s31] =	ssyncset.done $0x0  }
0xda: {  	[sflag:s31] =	ssyncadd.s32 $0xFFFFFF80  }
0xdb: {  	_ =	swait.ge [sflag:s31], $0x80  }
0xdc: {  	[sflag:s31] =	ssyncset.done $0x0  }
0xdd: {  	[sflag:s31] =	ssyncadd.s32 $0xFFFFFF80  }
0xde: {  	_ =	swait.ge [sflag:s31], $0x80  }
0xdf: {  	[sflag:s31] =	ssyncset.done $0x0  }
0xe0: {  	[sflag:s31] =	ssyncadd.s32 $0xFFFFFF80  }
0xe1: {  	_ =	swait.ge [sflag:s31], $0x80  }
0xe2: {  	[sflag:s31] =	ssyncset.done $0x0  }
0xe3: {  	[sflag:s31] =	ssyncadd.s32 $0xFFFFFF80  }
0xe4: {  	_ =	swait.ge [sflag:s31], $0x80  }
0xe5: {  	[sflag:s31] =	ssyncset.done $0x0  }
0xe6: {  	[sflag:s31] =	ssyncadd.s32 $0xFFFFFF80  }
0xe7: {  	_ =	swait.ge [sflag:s31], $0x80  }
0xe8: {  	[sflag:s31] =	ssyncset.done $0x0  }
0xe9: {  	[sflag:s31] =	ssyncadd.s32 $0xFFFFFF80  }
0xea: {  	_ =	swait.ge [sflag:s31], $0x80  }
0xeb: {  	[sflag:s31] =	ssyncset.done $0x0  }
0xec: {  	[sflag:s31] =	ssyncadd.s32 $0xFFFFFF80  }
0xed: {  	_ =	swait.ge [sflag:s31], $0x80  }
0xee: {  	[sflag:s31] =	ssyncset.done $0x0  }
0xef: {  	[sflag:s31] =	ssyncadd.s32 $0xFFFFFF80  }
0xf0: {  	_ =	swait.ge [sflag:s31], $0x80  }
0xf1: {  	[sflag:s31] =	ssyncset.done $0x0  }
0xf2: {  	[sflag:s31] =	ssyncadd.s32 $0xFFFFFF80  }
0xf3: {  	_ =	swait.ge [sflag:s31], $0x80  }
0xf4: {  	[sflag:s31] =	ssyncset.done $0x0  }
0xf5: {  	[sflag:s31] =	ssyncadd.s32 $0xFFFFFF80  }
0xf6: {  	_ =	swait.ge [sflag:s31], $0x80  }
0xf7: {  	[sflag:s31] =	ssyncset.done $0x0  }
0xf8: {  	[sflag:s31] =	ssyncadd.s32 $0xFFFFFF80  }
0xf9: {  	_ =	swait.ge [sflag:s31], $0x80  }
0xfa: {  	[sflag:s31] =	ssyncset.done $0x0  }
0xfb: {  	[sflag:s31] =	ssyncadd.s32 $0xFFFFFF80  }
0xfc: {  	_ =	swait.ge [sflag:s31], $0x80  }
0xfd: {  	[sflag:s31] =	ssyncset.done $0x0  }
0xfe: {  	[sflag:s31] =	ssyncadd.s32 $0xFFFFFF80  }
0xff: {  	_ =	swait.ge [sflag:s31], $0x80  }
0x100: {  	[sflag:s31] =	ssyncset.done $0x0  }
0x101: {  	[sflag:s31] =	ssyncadd.s32 $0xFFFFFF80  }
0x102: {  	_ =	swait.ge [sflag:s31], $0x80  }
0x103: {  	[sflag:s31] =	ssyncset.done $0x0  }
0x104: {  	[sflag:s31] =	ssyncadd.s32 $0xFFFFFF80  }
0x105: {  	_ =	swait.ge [sflag:s31], $0x80  }
0x106: {  	[sflag:s31] =	ssyncset.done $0x0  }
0x107: {  	[sflag:s31] =	ssyncadd.s32 $0xFFFFFF80  }
0x108: {  	_ =	swait.ge [sflag:s31], $0x80  }
0x109: {  	[sflag:s31] =	ssyncset.done $0x0  }
0x10a: {  	[sflag:s31] =	ssyncadd.s32 $0xFFFFFF80  }
0x10b: {  	_ =	swait.ge [sflag:s31], $0x80  }
0x10c: {  	[sflag:s31] =	ssyncset.done $0x0  }
0x10d: {  	[sflag:s31] =	ssyncadd.s32 $0xFFFFFF80  }
0x10e: {  	_ =	swait.ge [sflag:s31], $0x80  }
0x10f: {  	[sflag:s31] =	ssyncset.done $0x0  }
0x110: {  	[sflag:s31] =	ssyncadd.s32 $0xFFFFFF80  }
0x111: {  	_ =	swait.ge [sflag:s31], $0x80  }
0x112: {  	[sflag:s31] =	ssyncset.done $0x0  }
0x113: {  	[sflag:s31] =	ssyncadd.s32 $0xFFFFFF80  }
0x114: {  	_ =	swait.ge [sflag:s31], $0x80  }
0x115: {  	[sflag:s31] =	ssyncset.done $0x0  }
0x116: {  	[sflag:s31] =	ssyncadd.s32 $0xFFFFFF80  }
0x117: {  	_ =	swait.ge [sflag:s31], $0x80  }
0x118: {  	[sflag:s31] =	ssyncset.done $0x0  }
0x119: {  	[sflag:s31] =	ssyncadd.s32 $0xFFFFFF80  }
0x11a: {  	_ =	swait.ge [sflag:s31], $0x80  }
0x11b: {  	[sflag:s31] =	ssyncset.done $0x0  }
0x11c: {  	[sflag:s31] =	ssyncadd.s32 $0xFFFFFF80  }
0x11d: {  	s18 =	simm.s32 $0x1;
	_ =	swait.ge [sflag:s31], $0x10  }
0x11e: {  	v8 =	vadd.s32 s18, v4;
	[sflag:s31] =	ssyncset.done $0x0  }
0x11f: {  	[sflag:s31] =	ssyncadd.s32 $0xFFFFFFF0  }
0x120: {  	v9 =	vadd.s32 s18, v1;
	_ =	swait.ge [sflag:s31], $0x10  }
0x121: {  	[sflag:s31] =	ssyncset.done $0x0  }
0x122: {  	[sflag:s31] =	ssyncadd.s32 $0xFFFFFFF0  }
0x123: {  	s18 =	simm.s32 $0x0;
	v14 =	vld.idx.msk [tilespmem:v8+s12+$0x0], $0xffff  }
0x124: {  	v10 =	vmov s18;
	v11 =	vadd.s32 s18, v4;
	v13 =	vld.idx.msk [tilespmem:v8+s14+$0x0], $0xffff  }
0x125: {  	v10 =	vand.u32 $0x6, v10;
	v11 =	vand.u32 $0x3FF8, v11;
	v15 =	vld.idx.msk [tilespmem:v9+s14+$0x0], $0xffff  }
0x126: {  	v11 =	vor.u32 v10, v11;
	v8 =	vadd.s32 s18, v1;
	v18 =	vld.idx.msk [tilespmem:v9+s12+$0x0], $0xffff  }
0x127: {  	v12 =	vand.u32 $0x1FF8, v8  }
0x128: {  	v22 =	vor.u32 v10, v12  }
0x129: {  	v8 =	vld [tilespmem:$0x5778]  }
0x12a: {  	s18 =	simm.s32 $0x3;
	v12 =	vld [tilespmem:$0x5788];
	v20 =	vshll.u32 v15, $0x10;
	v15 =	vand.u32 $0xFFFF0000, v15  }
0x12b: {  	v16 =	vld.idx.msk [tilespmem:v11+s14+$0x0], $0xffff;
	v19 =	vadd.s32 s18, v4;
	v10 =	vand.u32 $0xFFFF0000, v13;
	v15 =	vmul.f32 v15, v18  }
0x12c: {  	v9 =	vimm.f32 $0.0e+00;
	v17 =	vld.idx.msk [tilespmem:v11+s12+$0x0], $0xffff;
	v10 =	vmul.f32 v10, v14  }
0x12d: {  	v21 =	vadd.s32 s18, v1;
	v23 =	vshll.u32 v13, $0x10;
	v11 =	vmul.f32 v20, v18;
	v20 =	vld.idx.msk [tilespmem:v22+s14+$0x0], $0xffff  }
0x12e: {  	v18 =	vld.idx.msk [tilespmem:v22+s12+$0x0], $0xffff;
	v22 =	vmul.f32 v23, v14;
	v10 =	vadd.f32 v10, v9  }
0x12f: {  	s17 =	simm.s32 $0x5;
	s18 =	simm.s32 $0x2;
	v14 =	vmovc v8;
	v13 =	vadd.f32 v11, v9;
	v11 =	vadd.f32 v15, v9;
	v15 =	vmov v12  }
.LBB2_2:
0x130: {  	p1 =	sne.s32 s17, $0xC7;
	v23 =	vmov s18;
	v24 =	vadd.s32 s18, v1;
	v25 =	vadd.s32 s18, v4;
	v26 =	vld.idx.msk [tilespmem:v19+s12+$0x0], $0xffff  }
0x131: {  	v23 =	vand.u32 $0x6, v23;
	v25 =	vand.u32 $0x3FF8, v25;
	v27 =	vld.idx.msk [tilespmem:v19+s14+$0x0], $0xffff;
	v19 =	vand.u32 $0xFFFF0000, v16  }
0x132: {  	v24 =	vand.u32 $0x1FF8, v24;
	v28 =	vld.idx.msk [tilespmem:v21+s14+$0x0], $0xffff;
	v25 =	vor.u32 v23, v25;
	v19 =	vmul.f32 v19, v17  }
0x133: {  	v23 =	vor.u32 v23, v24;
	v24 =	vld.idx.msk [tilespmem:v21+s12+$0x0], $0xffff;
	v21 =	vshll.u32 v20, $0x10;
	v20 =	vand.u32 $0xFFFF0000, v20  }
0x134: {  	v16 =	vshll.u32 v16, $0x10;
	v21 =	vmul.f32 v21, v18;
	v12 =	vadd.f32 v19, v12  }
0x135: {  	v9 =	vadd.f32 v22, v9;
	v17 =	vmul.f32 v16, v17;
	v18 =	vmul.f32 v20, v18  }
0x136: {  	v19 =	vadd.s32 s17, v4;
	v8 =	vadd.f32 v21, v8  }
.Ltmp0:
0x137: {  	v14 =	vadd.f32 v17, v14;
	v20 =	vand.u32 $0xFFFF0000, v27;
	v15 =	vadd.f32 v18, v15;
	v16 =	vld.idx.msk [tilespmem:v25+s14+$0x0], $0xffff;
	(pc) =	sbr.rel @p1 .LBB2_2-.Ltmp0, $4  }
0x138: {  	v18 =	vshll.u32 v28, $0x10;
	v22 =	vand.u32 $0xFFFF0000, v28;
	v17 =	vld.idx.msk [tilespmem:v25+s12+$0x0], $0xffff;
	v25 =	vmul.f32 v20, v26  }
0x139: {  	v21 =	vadd.s32 s17, v1;
	v28 =	vmul.f32 v18, v24;
	v22 =	vmul.f32 v22, v24;
	v20 =	vld.idx.msk [tilespmem:v23+s14+$0x0], $0xffff  }
0x13a: {  	v18 =	vld.idx.msk [tilespmem:v23+s12+$0x0], $0xffff;
	v23 =	vshll.u32 v27, $0x10;
	v10 =	vadd.f32 v25, v10  }
0x13b: {  	s18 =	sadd.s32 $0xFFFFFFFF, s17;
	s17 =	sadd.s32 $0x2, s17;
	v13 =	vadd.f32 v28, v13;
	v11 =	vadd.f32 v22, v11;
	v22 =	vmul.f32 v23, v26  }
0x13c: {  	_ = 	snop  }
0x13d: {  	v23 =	vmov s18;
	v24 =	vadd.s32 s18, v1  }
0x13e: {  	v23 =	vand.u32 $0x6, v23;
	v24 =	vand.u32 $0x1FF8, v24  }
0x13f: {  	v25 =	vadd.s32 s18, v4;
	v24 =	vor.u32 v23, v24  }
0x140: {  	v45 =	vld.idx.msk [tilespmem:v19+s14+$0x0], $0xffff;
	v25 =	vand.u32 $0x3FF8, v25  }
0x141: {  	v28 =	vld.idx.msk [tilespmem:v21+s14+$0x0], $0xffff;
	v23 =	vor.u32 v23, v25  }
0x142: {  	v27 =	vand.u32 $0xFFFF0000, v16;
	v47 =	vld.idx.msk [tilespmem:v21+s12+$0x0], $0xffff;
	v50 =	vshll.u32 v16, $0x10  }
0x143: {  	v26 =	vld.idx.msk [tilespmem:v19+s12+$0x0], $0xffff;
	v46 =	vmul.f32 v27, v17;
	v16 =	vmul.f32 v50, v17;
	v48 =	vshll.u32 v20, $0x10  }
0x144: {  	v9 =	vadd.f32 v22, v9;
	v49 =	vand.u32 $0xFFFF0000, v20;
	v27 =	vmul.f32 v48, v18;
	v52 =	vld.idx.msk [tilespmem:v24+s14+$0x0], $0xffff  }
0x145: {  	v12 =	vadd.f32 v46, v12;
	v51 =	vmul.f32 v49, v18;
	v14 =	vadd.f32 v16, v14;
	v53 =	vld.idx.msk [tilespmem:v24+s12+$0x0], $0xffff  }
0x146: {  	v8 =	vadd.f32 v27, v8;
	v55 =	vand.u32 $0xFFFF0000, v45;
	v56 =	vshll.u32 v28, $0x10;
	v54 =	vld.idx.msk [tilespmem:v23+s14+$0x0], $0xffff  }
0x147: {  	v57 =	vand.u32 $0xFFFF0000, v28;
	v19 =	vshll.u32 v45, $0x10;
	v18 =	vmul.f32 v56, v47;
	v23 =	vld.idx.msk [tilespmem:v23+s12+$0x0], $0xffff  }
0x148: {  	v15 =	vadd.f32 v51, v15;
	v58 =	vmul.f32 v57, v47;
	v19 =	vmul.f32 v19, v26  }
0x149: {  	v24 =	vmul.f32 v55, v26;
	v13 =	vadd.f32 v18, v13;
	v59 =	vshll.u32 v52, $0x10  }
0x14a: {  	v11 =	vadd.f32 v58, v11;
	v60 =	vand.u32 $0xFFFF0000, v52;
	v18 =	vmul.f32 v59, v53  }
0x14b: {  	v9 =	vadd.f32 v19, v9;
	v61 =	vshll.u32 v54, $0x10;
	v16 =	vmul.f32 v60, v53  }
0x14c: {  	v62 =	vand.u32 $0xFFFF0000, v54;
	v20 =	vmul.f32 v61, v23;
	v8 =	vadd.f32 v18, v8  }
0x14d: {  	v10 =	vadd.f32 v24, v10;
	v17 =	vmul.f32 v62, v23;
	v15 =	vadd.f32 v16, v15  }
0x14e: {  	v14 =	vadd.f32 v20, v14;
	v8 =	vadd.f32 v13, v8  }
0x14f: {  	v12 =	vadd.f32 v17, v12;
	v11 =	vadd.f32 v11, v15  }
0x150: {  	[tilespmem:v0+s0+$0x0] =	vst.idx.msk $0xffff, v8;
	v8 =	vadd.f32 v9, v14  }
0x151: {  	v63 =	vadd.f32 v10, v12;
	[tilespmem:v5+s0+$0x0] =	vst.idx.msk $0xffff, v11  }
0x152: {  	[tilespmem:v6+s0+$0x0] =	vst.idx.msk $0xffff, v8  }
0x153: {  	[tilespmem:v7+s0+$0x0] =	vst.idx.msk $0xffff, v63  }
0x154: {  	[hbm4b:s6+s2] =	stream.linear.scatter [tilespmem:s0], [sflag:$0x3], $0x20, $0x38;
	[tilespmem:$0x5798] =	vst v63  }
0x155: {  	s16 =	sadd.s32 $0x1, s16;
	_ =	swait.ge [sflag:s11], $0x20  }
0x156: {  	p1 =	sne.s32 s16, s8;
	[sflag:s11] =	ssyncset.done $0x0  }
.Ltmp1:
0x157: {  	[sflag:s11] =	ssyncadd.s32 $0xFFFFFFE0;
	(pc) =	sbr.rel @p1 .LBB2_1-.Ltmp1, $4  }
0x158: {  	[hbm4b:s7+s2] =	stream.linear.scatter [tilespmem:s15], [sflag:$0x3], $0x20, $0x38;
	[tilespmem:$0x5798] =	vst v63  }
0x159: {  	_ =	swait.ge [sflag:s11], $0x20  }
0x15a: {  	[sflag:s11] =	ssyncset.done $0x0  }
0x15b: {  	[sflag:s11] =	ssyncadd.s32 $0xFFFFFFE0  }
0x15c: {  	_ =	sfence.sel $0x180000  }
0x15d: {  	[bflag:$0x0] =	sbarrier.arrive $0xFFFF  }
0x15e: {  	_ =	strace $0x90000047  }
0x15f: {  	[bflag:$0x2] =	sbarrier.arrive $0xFFFF  }
0x160: {  	s0 =	rddreg [dreg:$0x2]  }
0x161: {  	s0 =	sadd.s32 @!p0 $0x100000, s0  }
0x162: {  	[sflag:s0] =	ssyncadd.tile.s32 @!p0 $0x1;
	_ =	shalt  }
.Lfunc_end2:
_tile_overlayer_lowered:
.L_overlay_start_2:
0x163: {  	(tag) =	ssettag $0x2  }
0x164: {  	s0 =	rddreg [dreg:$0x0];
	s2 =	stileid.u32  }
0x165: {  	s1 =	rddreg [dreg:$0x1];
	p0 =	sne.s32 s2, $0x0  }
0x166: {  	s3 =	rddreg [dreg:$0x2];
	[bflag:$0x3] =	sbarrier.arrive $0xFFFF;
	s2 =	simm.s32 @!p0 $0x1C03  }
0x167: {  	[timem:s3], [sflag:s2] =	dma.local @!p0 [hbm:s0], s1  }
0x168: {  	s0 =	simm.s32 @!p0 $0x3  }
0x169: {  	_ =	swait.ge @!p0 [sflag:s0], s1  }
0x16a: {  	s1 =	ssub.s32 @!p0 $0x0, s1;
	[sflag:s0] =	ssyncset.done @!p0 $0x0  }
0x16b: {  	[sflag:s0] =	ssyncadd.s32 @!p0 s1  }
0x16c: {  	[bflag:$0x3] =	sbarrier.arrive $0xFFFF  }
0x16d: {  	_ =	shalt  }

</sc_bundles>
